<compile_context>
chip_gen: v7x
topology: tpu7x:2x2x1
jax: 0.10.2.dev20260603
libtpu: 0.0.44.dev20260713+nightly
codegen_flags: <defaults>
</compile_context>

<pallas_src>
import functools

import jax
import jax.numpy as jnp
from jax import lax
from jax.experimental import pallas as pl
from jax.experimental.pallas import tpu as pltpu
from jax.experimental.pallas import tpu_sc as plsc

_B = 128
_D = 64
_LANES = 128
_B_PER_W = 4
_NW = _B // _B_PER_W


def _make_gather():
    mesh = plsc.VectorSubcoreMesh(core_axis_name="c", subcore_axis_name="s")
    info = plsc.get_sparse_core_info()
    num_cores = info.num_cores

    @functools.partial(
        pl.kernel,
        mesh=mesh,
        out_type=jax.ShapeDtypeStruct((_NW, _B_PER_W, _D), jnp.float32),
        scratch_types=[
            pltpu.VMEM((_B + 16,), jnp.int32),
            pltpu.VMEM((_B_PER_W, _D, _LANES), jnp.float32),
            pltpu.VMEM((_B_PER_W, _D), jnp.float32),
            pltpu.SemaphoreType.DMA,
        ],
        compiler_params=pltpu.CompilerParams(
            needs_layout_passes=False, use_tc_tiling_on_sc=True),
    )
    def gather_kernel(xt_hbm, idx_hbm, out_hbm, idx_all, tbuf, rows_v, sem):
        wid = lax.axis_index("s") * num_cores + lax.axis_index("c")
        pltpu.sync_copy(idx_hbm, idx_all.at[pl.ds(0, _B)])
        v16 = idx_all[pl.ds((wid >> 1) * 8, 16)]
        parity = lax.bitwise_and(wid, 1)
        cs = [lax.select(parity == 0, v16[j], v16[j + _B_PER_W])
              for j in range(_B_PER_W)]
        copies = []
        for j in range(_B_PER_W):
            base = pl.multiple_of(
                lax.shift_left(lax.shift_right_logical(cs[j], 7), 7), _LANES)
            copies.append([
                pltpu.async_copy(xt_hbm.at[pl.ds(8 * g, 8), pl.ds(base, _LANES)],
                                 tbuf.at[j, pl.ds(8 * g, 8)], sem)
                for g in range(_D // 8)
            ])
        lane = lax.iota(jnp.int32, 16)
        for j in range(_B_PER_W):
            for c in copies[j]:
                c.wait()
            lane_b = jnp.broadcast_to(
                lax.bitwise_and(cs[j], _LANES - 1), (16,))
            a_j = jnp.full((16,), j, jnp.int32)
            for q in range(_D // 16):
                rows_v[j, pl.ds(16 * q, 16)] = plsc.load_gather(
                    tbuf, [a_j, lane + (16 * q), lane_b])
        pltpu.sync_copy(rows_v, out_hbm.at[wid])

    return gather_kernel


_gather = _make_gather()


def kernel(x, index):
    out3 = _gather(x.T, index.astype(jnp.int32))
    return out3.reshape(_B, _D)

# --- scband reference (transcript-rebuilt; emitter-appended) ---
"""Pipeline reference for scband-index-select-5961414606909 (READ-ONLY COPY).

The authoritative reference and input builder live on the scoring server;
editing this copy changes nothing except your own understanding.
"""

import jax, jax.numpy as jnp
import numpy as np

DIM = 0
INDEX_NP = (np.arange(128, dtype=np.int64) * 7000)


def setup_inputs(seed: int = 0) -> dict:
    key = jax.random.key(seed)
    x = jax.random.normal(key, (1000000, 64), dtype=jnp.float32)
    index = jnp.asarray(INDEX_NP, dtype=jnp.int32)
    return {"x": x, "index": index}


def reference(x, index):
    # torch: x.index_select(dim, index) == jnp.take(x, index, axis=dim)
    return jnp.take(x, index, axis=DIM)

if __name__ == "__main__":
    import jax
    _d = setup_inputs()
    print(jax.jit(kernel)(*tuple(_d.values())))

</pallas_src>

<mosaic_0001>
#map = affine_map<(d0, d1) -> (0, 0)>
#map1 = affine_map<(d0, d1) -> (0)>
#map2 = affine_map<(d0, d1) -> (0, 0, 0)>
module attributes {stable_mosaic.version = 14 : i64} {
  func.func @gather_kernel(%arg0: i32, %arg1: i32, %arg2: memref<64x1000000xf32, #tpu.memory_space<hbm>>, %arg3: memref<128xi32, #tpu.memory_space<hbm>>, %arg4: memref<32x4x64xf32, #tpu.memory_space<hbm>>, %arg5: memref<144xi32, #tpu.memory_space<vmem>>, %arg6: memref<4x64x128xf32, #tpu.memory_space<vmem>>, %arg7: memref<4x64xf32, #tpu.memory_space<vmem>>, %arg8: memref<!tpu.dma_semaphore, #tpu.memory_space<semaphore_mem>>) attributes {dimension_semantics = [#tpu.dimension_semantics<core_parallel>, #tpu.dimension_semantics<subcore_parallel>], iteration_bounds = array<i64: 2, 16>, scalar_prefetch = 0 : i64, scratch_operands = 4 : i64, tpu.core_type = #tpu.core_type<sc_vector_subcore>, window_params = [{transform_indices = #map}, {transform_indices = #map1}, {transform_indices = #map2}]} {
    %mul3A = arith.constant 2 : i32
    %mul3A_0 = arith.muli %arg1, %mul3A : i32
    %add3A = arith.addi %mul3A_0, %arg0 : i32
    "tpu.region"() ({
      %run_scoped3A = tpu.sem_alloc : memref<!tpu.dma_semaphore, #tpu.memory_space<semaphore_mem>>
      %dma_start3A_1022 = arith.constant 0 : i32
      %dma_start3A_1023 = tpu.memref_slice %arg5[%dma_start3A_1022] : memref<144xi32, #tpu.memory_space<vmem>> -> memref<128xi32, #tpu.memory_space<vmem>>
      %dma_start3A_1024 = arith.constant 0 : i32
      %dma_start3A_1025 = tpu.memref_slice %arg5[%dma_start3A_1024] : memref<144xi32, #tpu.memory_space<vmem>> -> memref<128xi32, #tpu.memory_space<vmem>>
      tpu.enqueue_dma source(%arg3 : memref<128xi32, #tpu.memory_space<hbm>>) target(%dma_start3A_1025 : memref<128xi32, #tpu.memory_space<vmem>>) target_semaphore(%run_scoped3A : memref<!tpu.dma_semaphore, #tpu.memory_space<semaphore_mem>>)
      %dma_wait3A_1026 = arith.constant 0 : i32
      %dma_wait3A_1027 = tpu.memref_slice %arg5[%dma_wait3A_1026] : memref<144xi32, #tpu.memory_space<vmem>> -> memref<128xi32, #tpu.memory_space<vmem>>
      %dma_wait3A_1028 = arith.constant 0 : i32
      %dma_wait3A_1029 = tpu.memref_slice %arg5[%dma_wait3A_1028] : memref<144xi32, #tpu.memory_space<vmem>> -> memref<128xi32, #tpu.memory_space<vmem>>
      tpu.wait_dma2 semaphore(%run_scoped3A : memref<!tpu.dma_semaphore, #tpu.memory_space<semaphore_mem>>) src(%arg3 : memref<128xi32, #tpu.memory_space<hbm>>) dst(%dma_wait3A_1029 : memref<128xi32, #tpu.memory_space<vmem>>)
      tpu.yield
    }) : () -> ()
    %shift_right_arithmetic3A = arith.constant 1 : i32
    %shift_right_arithmetic3A_1 = arith.shrsi %add3A, %shift_right_arithmetic3A : i32
    %mul3A_2 = arith.constant 8 : i32
    %mul3A_3 = arith.muli %shift_right_arithmetic3A_1, %mul3A_2 : i32
    %get3A = arith.index_cast %mul3A_3 : i32 to index
    %get3A_4 = tpu.vector_load %arg5[%get3A] {strides = array<i32>} : memref<144xi32, #tpu.memory_space<vmem>>, vector<16xi32>,
    %and3A = arith.constant 1 : i32
    %and3A_5 = arith.andi %add3A, %and3A : i32
    %eq3A = arith.constant 0 : i32
    %eq3A_6 = arith.cmpi eq, %and3A_5, %eq3A : i32
    %slice3A = vector.extract_strided_slice %get3A_4 {offsets = [0], sizes = [1], strides = [1]} : vector<16xi32> to vector<1xi32>
    %squeeze3A = vector.extract %slice3A[0] : i32 from vector<1xi32>
    %slice3A_7 = vector.extract_strided_slice %get3A_4 {offsets = [4], sizes = [1], strides = [1]} : vector<16xi32> to vector<1xi32>
    %squeeze3A_8 = vector.extract %slice3A_7[0] : i32 from vector<1xi32>
    %select_n3A = arith.select %eq3A_6, %squeeze3A, %squeeze3A_8 : i32
    %eq3A_9 = arith.constant 0 : i32
    %eq3A_10 = arith.cmpi eq, %and3A_5, %eq3A_9 : i32
    %slice3A_11 = vector.extract_strided_slice %get3A_4 {offsets = [1], sizes = [1], strides = [1]} : vector<16xi32> to vector<1xi32>
    %squeeze3A_12 = vector.extract %slice3A_11[0] : i32 from vector<1xi32>
    %slice3A_13 = vector.extract_strided_slice %get3A_4 {offsets = [5], sizes = [1], strides = [1]} : vector<16xi32> to vector<1xi32>
    %squeeze3A_14 = vector.extract %slice3A_13[0] : i32 from vector<1xi32>
    %select_n3A_15 = arith.select %eq3A_10, %squeeze3A_12, %squeeze3A_14 : i32
    %eq3A_16 = arith.constant 0 : i32
    %eq3A_17 = arith.cmpi eq, %and3A_5, %eq3A_16 : i32
    %slice3A_18 = vector.extract_strided_slice %get3A_4 {offsets = [2], sizes = [1], strides = [1]} : vector<16xi32> to vector<1xi32>
    %squeeze3A_19 = vector.extract %slice3A_18[0] : i32 from vector<1xi32>
    %slice3A_20 = vector.extract_strided_slice %get3A_4 {offsets = [6], sizes = [1], strides = [1]} : vector<16xi32> to vector<1xi32>
    %squeeze3A_21 = vector.extract %slice3A_20[0] : i32 from vector<1xi32>
    %select_n3A_22 = arith.select %eq3A_17, %squeeze3A_19, %squeeze3A_21 : i32
    %eq3A_23 = arith.constant 0 : i32
    %eq3A_24 = arith.cmpi eq, %and3A_5, %eq3A_23 : i32
    %slice3A_25 = vector.extract_strided_slice %get3A_4 {offsets = [3], sizes = [1], strides = [1]} : vector<16xi32> to vector<1xi32>
    %squeeze3A_26 = vector.extract %slice3A_25[0] : i32 from vector<1xi32>
    %slice3A_27 = vector.extract_strided_slice %get3A_4 {offsets = [7], sizes = [1], strides = [1]} : vector<16xi32> to vector<1xi32>
    %squeeze3A_28 = vector.extract %slice3A_27[0] : i32 from vector<1xi32>
    %select_n3A_29 = arith.select %eq3A_24, %squeeze3A_26, %squeeze3A_28 : i32
    %shift_right_logical3A = arith.constant 7 : i32
    %shift_right_logical3A_30 = arith.shrui %select_n3A, %shift_right_logical3A : i32
    %shift_left3A = arith.constant 7 : i32
    %shift_left3A_31 = arith.shli %shift_right_logical3A_30, %shift_left3A : i32
    %multiple_of3A = tpu.assume_multiple %shift_left3A_31, 128 : i32
    %dma_start3A = arith.constant 0 : i32
    %dma_start3A_32 = arith.constant 0 : i32
    %dma_start3A_33 = arith.constant 0 : i32
    %dma_start3A_34 = tpu.memref_slice %arg6[%dma_start3A, %dma_start3A_32, %dma_start3A_33] : memref<4x64x128xf32, #tpu.memory_space<vmem>> -> memref<1x8x128xf32, #tpu.memory_space<vmem>>
    %dma_start3A_35 = tpu.memref_squeeze %dma_start3A_34 : memref<1x8x128xf32, #tpu.memory_space<vmem>> -> memref<8x128xf32, #tpu.memory_space<vmem>>
    %dma_start3A_36 = arith.constant 0 : i32
    %dma_start3A_37 = tpu.memref_slice %arg2[%dma_start3A_36, %multiple_of3A] : memref<64x1000000xf32, #tpu.memory_space<hbm>> -> memref<8x128xf32, #tpu.memory_space<hbm>>
    %dma_start3A_38 = arith.constant 0 : i32
    %dma_start3A_39 = arith.constant 0 : i32
    %dma_start3A_40 = tpu.memref_slice %arg6[%dma_start3A, %dma_start3A_38, %dma_start3A_39] : memref<4x64x128xf32, #tpu.memory_space<vmem>> -> memref<1x8x128xf32, #tpu.memory_space<vmem>>
    %dma_start3A_41 = tpu.memref_squeeze %dma_start3A_40 : memref<1x8x128xf32, #tpu.memory_space<vmem>> -> memref<8x128xf32, #tpu.memory_space<vmem>>
    %dma_start3A_42 = arith.constant 0 : i32
    %dma_start3A_43 = tpu.memref_slice %arg2[%dma_start3A_42, %multiple_of3A] : memref<64x1000000xf32, #tpu.memory_space<hbm>> -> memref<8x128xf32, #tpu.memory_space<hbm>>
    tpu.enqueue_dma source(%dma_start3A_43 : memref<8x128xf32, #tpu.memory_space<hbm>>) target(%dma_start3A_41 : memref<8x128xf32, #tpu.memory_space<vmem>>) target_semaphore(%arg8 : memref<!tpu.dma_semaphore, #tpu.memory_space<semaphore_mem>>)
    %dma_start3A_44 = arith.constant 0 : i32
    %dma_start3A_45 = arith.constant 8 : i32
    %dma_start3A_46 = arith.constant 0 : i32
    %dma_start3A_47 = tpu.memref_slice %arg6[%dma_start3A_44, %dma_start3A_45, %dma_start3A_46] : memref<4x64x128xf32, #tpu.memory_space<vmem>> -> memref<1x8x128xf32, #tpu.memory_space<vmem>>
    %dma_start3A_48 = tpu.memref_squeeze %dma_start3A_47 : memref<1x8x128xf32, #tpu.memory_space<vmem>> -> memref<8x128xf32, #tpu.memory_space<vmem>>
    %dma_start3A_49 = arith.constant 8 : i32
    %dma_start3A_50 = tpu.memref_slice %arg2[%dma_start3A_49, %multiple_of3A] : memref<64x1000000xf32, #tpu.memory_space<hbm>> -> memref<8x128xf32, #tpu.memory_space<hbm>>
    %dma_start3A_51 = arith.constant 8 : i32
    %dma_start3A_52 = arith.constant 0 : i32
    %dma_start3A_53 = tpu.memref_slice %arg6[%dma_start3A_44, %dma_start3A_51, %dma_start3A_52] : memref<4x64x128xf32, #tpu.memory_space<vmem>> -> memref<1x8x128xf32, #tpu.memory_space<vmem>>
    %dma_start3A_54 = tpu.memref_squeeze %dma_start3A_53 : memref<1x8x128xf32, #tpu.memory_space<vmem>> -> memref<8x128xf32, #tpu.memory_space<vmem>>
    %dma_start3A_55 = arith.constant 8 : i32
    %dma_start3A_56 = tpu.memref_slice %arg2[%dma_start3A_55, %multiple_of3A] : memref<64x1000000xf32, #tpu.memory_space<hbm>> -> memref<8x128xf32, #tpu.memory_space<hbm>>
    tpu.enqueue_dma source(%dma_start3A_56 : memref<8x128xf32, #tpu.memory_space<hbm>>) target(%dma_start3A_54 : memref<8x128xf32, #tpu.memory_space<vmem>>) target_semaphore(%arg8 : memref<!tpu.dma_semaphore, #tpu.memory_space<semaphore_mem>>)
    %dma_start3A_57 = arith.constant 0 : i32
    %dma_start3A_58 = arith.constant 16 : i32
    %dma_start3A_59 = arith.constant 0 : i32
    %dma_start3A_60 = tpu.memref_slice %arg6[%dma_start3A_57, %dma_start3A_58, %dma_start3A_59] : memref<4x64x128xf32, #tpu.memory_space<vmem>> -> memref<1x8x128xf32, #tpu.memory_space<vmem>>
    %dma_start3A_61 = tpu.memref_squeeze %dma_start3A_60 : memref<1x8x128xf32, #tpu.memory_space<vmem>> -> memref<8x128xf32, #tpu.memory_space<vmem>>
    %dma_start3A_62 = arith.constant 16 : i32
    %dma_start3A_63 = tpu.memref_slice %arg2[%dma_start3A_62, %multiple_of3A] : memref<64x1000000xf32, #tpu.memory_space<hbm>> -> memref<8x128xf32, #tpu.memory_space<hbm>>
    %dma_start3A_64 = arith.constant 16 : i32
    %dma_start3A_65 = arith.constant 0 : i32
    %dma_start3A_66 = tpu.memref_slice %arg6[%dma_start3A_57, %dma_start3A_64, %dma_start3A_65] : memref<4x64x128xf32, #tpu.memory_space<vmem>> -> memref<1x8x128xf32, #tpu.memory_space<vmem>>
    %dma_start3A_67 = tpu.memref_squeeze %dma_start3A_66 : memref<1x8x128xf32, #tpu.memory_space<vmem>> -> memref<8x128xf32, #tpu.memory_space<vmem>>
    %dma_start3A_68 = arith.constant 16 : i32
    %dma_start3A_69 = tpu.memref_slice %arg2[%dma_start3A_68, %multiple_of3A] : memref<64x1000000xf32, #tpu.memory_space<hbm>> -> memref<8x128xf32, #tpu.memory_space<hbm>>
    tpu.enqueue_dma source(%dma_start3A_69 : memref<8x128xf32, #tpu.memory_space<hbm>>) target(%dma_start3A_67 : memref<8x128xf32, #tpu.memory_space<vmem>>) target_semaphore(%arg8 : memref<!tpu.dma_semaphore, #tpu.memory_space<semaphore_mem>>)
    %dma_start3A_70 = arith.constant 0 : i32
    %dma_start3A_71 = arith.constant 24 : i32
    %dma_start3A_72 = arith.constant 0 : i32
    %dma_start3A_73 = tpu.memref_slice %arg6[%dma_start3A_70, %dma_start3A_71, %dma_start3A_72] : memref<4x64x128xf32, #tpu.memory_space<vmem>> -> memref<1x8x128xf32, #tpu.memory_space<vmem>>
    %dma_start3A_74 = tpu.memref_squeeze %dma_start3A_73 : memref<1x8x128xf32, #tpu.memory_space<vmem>> -> memref<8x128xf32, #tpu.memory_space<vmem>>
    %dma_start3A_75 = arith.constant 24 : i32
    %dma_start3A_76 = tpu.memref_slice %arg2[%dma_start3A_75, %multiple_of3A] : memref<64x1000000xf32, #tpu.memory_space<hbm>> -> memref<8x128xf32, #tpu.memory_space<hbm>>
    %dma_start3A_77 = arith.constant 24 : i32
    %dma_start3A_78 = arith.constant 0 : i32
    %dma_start3A_79 = tpu.memref_slice %arg6[%dma_start3A_70, %dma_start3A_77, %dma_start3A_78] : memref<4x64x128xf32, #tpu.memory_space<vmem>> -> memref<1x8x128xf32, #tpu.memory_space<vmem>>
    %dma_start3A_80 = tpu.memref_squeeze %dma_start3A_79 : memref<1x8x128xf32, #tpu.memory_space<vmem>> -> memref<8x128xf32, #tpu.memory_space<vmem>>
    %dma_start3A_81 = arith.constant 24 : i32
    %dma_start3A_82 = tpu.memref_slice %arg2[%dma_start3A_81, %multiple_of3A] : memref<64x1000000xf32, #tpu.memory_space<hbm>> -> memref<8x128xf32, #tpu.memory_space<hbm>>
    tpu.enqueue_dma source(%dma_start3A_82 : memref<8x128xf32, #tpu.memory_space<hbm>>) target(%dma_start3A_80 : memref<8x128xf32, #tpu.memory_space<vmem>>) target_semaphore(%arg8 : memref<!tpu.dma_semaphore, #tpu.memory_space<semaphore_mem>>)
    %dma_start3A_83 = arith.constant 0 : i32
    %dma_start3A_84 = arith.constant 32 : i32
    %dma_start3A_85 = arith.constant 0 : i32
    %dma_start3A_86 = tpu.memref_slice %arg6[%dma_start3A_83, %dma_start3A_84, %dma_start3A_85] : memref<4x64x128xf32, #tpu.memory_space<vmem>> -> memref<1x8x128xf32, #tpu.memory_space<vmem>>
    %dma_start3A_87 = tpu.memref_squeeze %dma_start3A_86 : memref<1x8x128xf32, #tpu.memory_space<vmem>> -> memref<8x128xf32, #tpu.memory_space<vmem>>
    %dma_start3A_88 = arith.constant 32 : i32
    %dma_start3A_89 = tpu.memref_slice %arg2[%dma_start3A_88, %multiple_of3A] : memref<64x1000000xf32, #tpu.memory_space<hbm>> -> memref<8x128xf32, #tpu.memory_space<hbm>>
    %dma_start3A_90 = arith.constant 32 : i32
    %dma_start3A_91 = arith.constant 0 : i32
    %dma_start3A_92 = tpu.memref_slice %arg6[%dma_start3A_83, %dma_start3A_90, %dma_start3A_91] : memref<4x64x128xf32, #tpu.memory_space<vmem>> -> memref<1x8x128xf32, #tpu.memory_space<vmem>>
    %dma_start3A_93 = tpu.memref_squeeze %dma_start3A_92 : memref<1x8x128xf32, #tpu.memory_space<vmem>> -> memref<8x128xf32, #tpu.memory_space<vmem>>
    %dma_start3A_94 = arith.constant 32 : i32
    %dma_start3A_95 = tpu.memref_slice %arg2[%dma_start3A_94, %multiple_of3A] : memref<64x1000000xf32, #tpu.memory_space<hbm>> -> memref<8x128xf32, #tpu.memory_space<hbm>>
    tpu.enqueue_dma source(%dma_start3A_95 : memref<8x128xf32, #tpu.memory_space<hbm>>) target(%dma_start3A_93 : memref<8x128xf32, #tpu.memory_space<vmem>>) target_semaphore(%arg8 : memref<!tpu.dma_semaphore, #tpu.memory_space<semaphore_mem>>)
    %dma_start3A_96 = arith.constant 0 : i32
    %dma_start3A_97 = arith.constant 40 : i32
    %dma_start3A_98 = arith.constant 0 : i32
    %dma_start3A_99 = tpu.memref_slice %arg6[%dma_start3A_96, %dma_start3A_97, %dma_start3A_98] : memref<4x64x128xf32, #tpu.memory_space<vmem>> -> memref<1x8x128xf32, #tpu.memory_space<vmem>>
    %dma_start3A_100 = tpu.memref_squeeze %dma_start3A_99 : memref<1x8x128xf32, #tpu.memory_space<vmem>> -> memref<8x128xf32, #tpu.memory_space<vmem>>
    %dma_start3A_101 = arith.constant 40 : i32
    %dma_start3A_102 = tpu.memref_slice %arg2[%dma_start3A_101, %multiple_of3A] : memref<64x1000000xf32, #tpu.memory_space<hbm>> -> memref<8x128xf32, #tpu.memory_space<hbm>>
    %dma_start3A_103 = arith.constant 40 : i32
    %dma_start3A_104 = arith.constant 0 : i32
    %dma_start3A_105 = tpu.memref_slice %arg6[%dma_start3A_96, %dma_start3A_103, %dma_start3A_104] : memref<4x64x128xf32, #tpu.memory_space<vmem>> -> memref<1x8x128xf32, #tpu.memory_space<vmem>>
    %dma_start3A_106 = tpu.memref_squeeze %dma_start3A_105 : memref<1x8x128xf32, #tpu.memory_space<vmem>> -> memref<8x128xf32, #tpu.memory_space<vmem>>
    %dma_start3A_107 = arith.constant 40 : i32
    %dma_start3A_108 = tpu.memref_slice %arg2[%dma_start3A_107, %multiple_of3A] : memref<64x1000000xf32, #tpu.memory_space<hbm>> -> memref<8x128xf32, #tpu.memory_space<hbm>>
    tpu.enqueue_dma source(%dma_start3A_108 : memref<8x128xf32, #tpu.memory_space<hbm>>) target(%dma_start3A_106 : memref<8x128xf32, #tpu.memory_space<vmem>>) target_semaphore(%arg8 : memref<!tpu.dma_semaphore, #tpu.memory_space<semaphore_mem>>)
    %dma_start3A_109 = arith.constant 0 : i32
    %dma_start3A_110 = arith.constant 48 : i32
    %dma_start3A_111 = arith.constant 0 : i32
    %dma_start3A_112 = tpu.memref_slice %arg6[%dma_start3A_109, %dma_start3A_110, %dma_start3A_111] : memref<4x64x128xf32, #tpu.memory_space<vmem>> -> memref<1x8x128xf32, #tpu.memory_space<vmem>>
    %dma_start3A_113 = tpu.memref_squeeze %dma_start3A_112 : memref<1x8x128xf32, #tpu.memory_space<vmem>> -> memref<8x128xf32, #tpu.memory_space<vmem>>
    %dma_start3A_114 = arith.constant 48 : i32
    %dma_start3A_115 = tpu.memref_slice %arg2[%dma_start3A_114, %multiple_of3A] : memref<64x1000000xf32, #tpu.memory_space<hbm>> -> memref<8x128xf32, #tpu.memory_space<hbm>>
    %dma_start3A_116 = arith.constant 48 : i32
    %dma_start3A_117 = arith.constant 0 : i32
    %dma_start3A_118 = tpu.memref_slice %arg6[%dma_start3A_109, %dma_start3A_116, %dma_start3A_117] : memref<4x64x128xf32, #tpu.memory_space<vmem>> -> memref<1x8x128xf32, #tpu.memory_space<vmem>>
    %dma_start3A_119 = tpu.memref_squeeze %dma_start3A_118 : memref<1x8x128xf32, #tpu.memory_space<vmem>> -> memref<8x128xf32, #tpu.memory_space<vmem>>
    %dma_start3A_120 = arith.constant 48 : i32
    %dma_start3A_121 = tpu.memref_slice %arg2[%dma_start3A_120, %multiple_of3A] : memref<64x1000000xf32, #tpu.memory_space<hbm>> -> memref<8x128xf32, #tpu.memory_space<hbm>>
    tpu.enqueue_dma source(%dma_start3A_121 : memref<8x128xf32, #tpu.memory_space<hbm>>) target(%dma_start3A_119 : memref<8x128xf32, #tpu.memory_space<vmem>>) target_semaphore(%arg8 : memref<!tpu.dma_semaphore, #tpu.memory_space<semaphore_mem>>)
    %dma_start3A_122 = arith.constant 0 : i32
    %dma_start3A_123 = arith.constant 56 : i32
    %dma_start3A_124 = arith.constant 0 : i32
    %dma_start3A_125 = tpu.memref_slice %arg6[%dma_start3A_122, %dma_start3A_123, %dma_start3A_124] : memref<4x64x128xf32, #tpu.memory_space<vmem>> -> memref<1x8x128xf32, #tpu.memory_space<vmem>>
    %dma_start3A_126 = tpu.memref_squeeze %dma_start3A_125 : memref<1x8x128xf32, #tpu.memory_space<vmem>> -> memref<8x128xf32, #tpu.memory_space<vmem>>
    %dma_start3A_127 = arith.constant 56 : i32
    %dma_start3A_128 = tpu.memref_slice %arg2[%dma_start3A_127, %multiple_of3A] : memref<64x1000000xf32, #tpu.memory_space<hbm>> -> memref<8x128xf32, #tpu.memory_space<hbm>>
    %dma_start3A_129 = arith.constant 56 : i32
    %dma_start3A_130 = arith.constant 0 : i32
    %dma_start3A_131 = tpu.memref_slice %arg6[%dma_start3A_122, %dma_start3A_129, %dma_start3A_130] : memref<4x64x128xf32, #tpu.memory_space<vmem>> -> memref<1x8x128xf32, #tpu.memory_space<vmem>>
    %dma_start3A_132 = tpu.memref_squeeze %dma_start3A_131 : memref<1x8x128xf32, #tpu.memory_space<vmem>> -> memref<8x128xf32, #tpu.memory_space<vmem>>
    %dma_start3A_133 = arith.constant 56 : i32
    %dma_start3A_134 = tpu.memref_slice %arg2[%dma_start3A_133, %multiple_of3A] : memref<64x1000000xf32, #tpu.memory_space<hbm>> -> memref<8x128xf32, #tpu.memory_space<hbm>>
    tpu.enqueue_dma source(%dma_start3A_134 : memref<8x128xf32, #tpu.memory_space<hbm>>) target(%dma_start3A_132 : memref<8x128xf32, #tpu.memory_space<vmem>>) target_semaphore(%arg8 : memref<!tpu.dma_semaphore, #tpu.memory_space<semaphore_mem>>)
    %shift_right_logical3A_135 = arith.constant 7 : i32
    %shift_right_logical3A_136 = arith.shrui %select_n3A_15, %shift_right_logical3A_135 : i32
    %shift_left3A_137 = arith.constant 7 : i32
    %shift_left3A_138 = arith.shli %shift_right_logical3A_136, %shift_left3A_137 : i32
    %multiple_of3A_139 = tpu.assume_multiple %shift_left3A_138, 128 : i32
    %dma_start3A_140 = arith.constant 1 : i32
    %dma_start3A_141 = arith.constant 0 : i32
    %dma_start3A_142 = arith.constant 0 : i32
    %dma_start3A_143 = tpu.memref_slice %arg6[%dma_start3A_140, %dma_start3A_141, %dma_start3A_142] : memref<4x64x128xf32, #tpu.memory_space<vmem>> -> memref<1x8x128xf32, #tpu.memory_space<vmem>>
    %dma_start3A_144 = tpu.memref_squeeze %dma_start3A_143 : memref<1x8x128xf32, #tpu.memory_space<vmem>> -> memref<8x128xf32, #tpu.memory_space<vmem>>
    %dma_start3A_145 = arith.constant 0 : i32
    %dma_start3A_146 = tpu.memref_slice %arg2[%dma_start3A_145, %multiple_of3A_139] : memref<64x1000000xf32, #tpu.memory_space<hbm>> -> memref<8x128xf32, #tpu.memory_space<hbm>>
    %dma_start3A_147 = arith.constant 0 : i32
    %dma_start3A_148 = arith.constant 0 : i32
    %dma_start3A_149 = tpu.memref_slice %arg6[%dma_start3A_140, %dma_start3A_147, %dma_start3A_148] : memref<4x64x128xf32, #tpu.memory_space<vmem>> -> memref<1x8x128xf32, #tpu.memory_space<vmem>>
    %dma_start3A_150 = tpu.memref_squeeze %dma_start3A_149 : memref<1x8x128xf32, #tpu.memory_space<vmem>> -> memref<8x128xf32, #tpu.memory_space<vmem>>
    %dma_start3A_151 = arith.constant 0 : i32
    %dma_start3A_152 = tpu.memref_slice %arg2[%dma_start3A_151, %multiple_of3A_139] : memref<64x1000000xf32, #tpu.memory_space<hbm>> -> memref<8x128xf32, #tpu.memory_space<hbm>>
    tpu.enqueue_dma source(%dma_start3A_152 : memref<8x128xf32, #tpu.memory_space<hbm>>) target(%dma_start3A_150 : memref<8x128xf32, #tpu.memory_space<vmem>>) target_semaphore(%arg8 : memref<!tpu.dma_semaphore, #tpu.memory_space<semaphore_mem>>)
    %dma_start3A_153 = arith.constant 1 : i32
    %dma_start3A_154 = arith.constant 8 : i32
    %dma_start3A_155 = arith.constant 0 : i32
    %dma_start3A_156 = tpu.memref_slice %arg6[%dma_start3A_153, %dma_start3A_154, %dma_start3A_155] : memref<4x64x128xf32, #tpu.memory_space<vmem>> -> memref<1x8x128xf32, #tpu.memory_space<vmem>>
    %dma_start3A_157 = tpu.memref_squeeze %dma_start3A_156 : memref<1x8x128xf32, #tpu.memory_space<vmem>> -> memref<8x128xf32, #tpu.memory_space<vmem>>
    %dma_start3A_158 = arith.constant 8 : i32
    %dma_start3A_159 = tpu.memref_slice %arg2[%dma_start3A_158, %multiple_of3A_139] : memref<64x1000000xf32, #tpu.memory_space<hbm>> -> memref<8x128xf32, #tpu.memory_space<hbm>>
    %dma_start3A_160 = arith.constant 8 : i32
    %dma_start3A_161 = arith.constant 0 : i32
    %dma_start3A_162 = tpu.memref_slice %arg6[%dma_start3A_153, %dma_start3A_160, %dma_start3A_161] : memref<4x64x128xf32, #tpu.memory_space<vmem>> -> memref<1x8x128xf32, #tpu.memory_space<vmem>>
    %dma_start3A_163 = tpu.memref_squeeze %dma_start3A_162 : memref<1x8x128xf32, #tpu.memory_space<vmem>> -> memref<8x128xf32, #tpu.memory_space<vmem>>
    %dma_start3A_164 = arith.constant 8 : i32
    %dma_start3A_165 = tpu.memref_slice %arg2[%dma_start3A_164, %multiple_of3A_139] : memref<64x1000000xf32, #tpu.memory_space<hbm>> -> memref<8x128xf32, #tpu.memory_space<hbm>>
    tpu.enqueue_dma source(%dma_start3A_165 : memref<8x128xf32, #tpu.memory_space<hbm>>) target(%dma_start3A_163 : memref<8x128xf32, #tpu.memory_space<vmem>>) target_semaphore(%arg8 : memref<!tpu.dma_semaphore, #tpu.memory_space<semaphore_mem>>)
    %dma_start3A_166 = arith.constant 1 : i32
    %dma_start3A_167 = arith.constant 16 : i32
    %dma_start3A_168 = arith.constant 0 : i32
    %dma_start3A_169 = tpu.memref_slice %arg6[%dma_start3A_166, %dma_start3A_167, %dma_start3A_168] : memref<4x64x128xf32, #tpu.memory_space<vmem>> -> memref<1x8x128xf32, #tpu.memory_space<vmem>>
    %dma_start3A_170 = tpu.memref_squeeze %dma_start3A_169 : memref<1x8x128xf32, #tpu.memory_space<vmem>> -> memref<8x128xf32, #tpu.memory_space<vmem>>
    %dma_start3A_171 = arith.constant 16 : i32
    %dma_start3A_172 = tpu.memref_slice %arg2[%dma_start3A_171, %multiple_of3A_139] : memref<64x1000000xf32, #tpu.memory_space<hbm>> -> memref<8x128xf32, #tpu.memory_space<hbm>>
    %dma_start3A_173 = arith.constant 16 : i32
    %dma_start3A_174 = arith.constant 0 : i32
    %dma_start3A_175 = tpu.memref_slice %arg6[%dma_start3A_166, %dma_start3A_173, %dma_start3A_174] : memref<4x64x128xf32, #tpu.memory_space<vmem>> -> memref<1x8x128xf32, #tpu.memory_space<vmem>>
    %dma_start3A_176 = tpu.memref_squeeze %dma_start3A_175 : memref<1x8x128xf32, #tpu.memory_space<vmem>> -> memref<8x128xf32, #tpu.memory_space<vmem>>
    %dma_start3A_177 = arith.constant 16 : i32
    %dma_start3A_178 = tpu.memref_slice %arg2[%dma_start3A_177, %multiple_of3A_139] : memref<64x1000000xf32, #tpu.memory_space<hbm>> -> memref<8x128xf32, #tpu.memory_space<hbm>>
    tpu.enqueue_dma source(%dma_start3A_178 : memref<8x128xf32, #tpu.memory_space<hbm>>) target(%dma_start3A_176 : memref<8x128xf32, #tpu.memory_space<vmem>>) target_semaphore(%arg8 : memref<!tpu.dma_semaphore, #tpu.memory_space<semaphore_mem>>)
    %dma_start3A_179 = arith.constant 1 : i32
    %dma_start3A_180 = arith.constant 24 : i32
    %dma_start3A_181 = arith.constant 0 : i32
    %dma_start3A_182 = tpu.memref_slice %arg6[%dma_start3A_179, %dma_start3A_180, %dma_start3A_181] : memref<4x64x128xf32, #tpu.memory_space<vmem>> -> memref<1x8x128xf32, #tpu.memory_space<vmem>>
    %dma_start3A_183 = tpu.memref_squeeze %dma_start3A_182 : memref<1x8x128xf32, #tpu.memory_space<vmem>> -> memref<8x128xf32, #tpu.memory_space<vmem>>
    %dma_start3A_184 = arith.constant 24 : i32
    %dma_start3A_185 = tpu.memref_slice %arg2[%dma_start3A_184, %multiple_of3A_139] : memref<64x1000000xf32, #tpu.memory_space<hbm>> -> memref<8x128xf32, #tpu.memory_space<hbm>>
    %dma_start3A_186 = arith.constant 24 : i32
    %dma_start3A_187 = arith.constant 0 : i32
    %dma_start3A_188 = tpu.memref_slice %arg6[%dma_start3A_179, %dma_start3A_186, %dma_start3A_187] : memref<4x64x128xf32, #tpu.memory_space<vmem>> -> memref<1x8x128xf32, #tpu.memory_space<vmem>>
    %dma_start3A_189 = tpu.memref_squeeze %dma_start3A_188 : memref<1x8x128xf32, #tpu.memory_space<vmem>> -> memref<8x128xf32, #tpu.memory_space<vmem>>
    %dma_start3A_190 = arith.constant 24 : i32
    %dma_start3A_191 = tpu.memref_slice %arg2[%dma_start3A_190, %multiple_of3A_139] : memref<64x1000000xf32, #tpu.memory_space<hbm>> -> memref<8x128xf32, #tpu.memory_space<hbm>>
    tpu.enqueue_dma source(%dma_start3A_191 : memref<8x128xf32, #tpu.memory_space<hbm>>) target(%dma_start3A_189 : memref<8x128xf32, #tpu.memory_space<vmem>>) target_semaphore(%arg8 : memref<!tpu.dma_semaphore, #tpu.memory_space<semaphore_mem>>)
    %dma_start3A_192 = arith.constant 1 : i32
    %dma_start3A_193 = arith.constant 32 : i32
    %dma_start3A_194 = arith.constant 0 : i32
    %dma_start3A_195 = tpu.memref_slice %arg6[%dma_start3A_192, %dma_start3A_193, %dma_start3A_194] : memref<4x64x128xf32, #tpu.memory_space<vmem>> -> memref<1x8x128xf32, #tpu.memory_space<vmem>>
    %dma_start3A_196 = tpu.memref_squeeze %dma_start3A_195 : memref<1x8x128xf32, #tpu.memory_space<vmem>> -> memref<8x128xf32, #tpu.memory_space<vmem>>
    %dma_start3A_197 = arith.constant 32 : i32
    %dma_start3A_198 = tpu.memref_slice %arg2[%dma_start3A_197, %multiple_of3A_139] : memref<64x1000000xf32, #tpu.memory_space<hbm>> -> memref<8x128xf32, #tpu.memory_space<hbm>>
    %dma_start3A_199 = arith.constant 32 : i32
    %dma_start3A_200 = arith.constant 0 : i32
    %dma_start3A_201 = tpu.memref_slice %arg6[%dma_start3A_192, %dma_start3A_199, %dma_start3A_200] : memref<4x64x128xf32, #tpu.memory_space<vmem>> -> memref<1x8x128xf32, #tpu.memory_space<vmem>>
    %dma_start3A_202 = tpu.memref_squeeze %dma_start3A_201 : memref<1x8x128xf32, #tpu.memory_space<vmem>> -> memref<8x128xf32, #tpu.memory_space<vmem>>
    %dma_start3A_203 = arith.constant 32 : i32
    %dma_start3A_204 = tpu.memref_slice %arg2[%dma_start3A_203, %multiple_of3A_139] : memref<64x1000000xf32, #tpu.memory_space<hbm>> -> memref<8x128xf32, #tpu.memory_space<hbm>>
    tpu.enqueue_dma source(%dma_start3A_204 : memref<8x128xf32, #tpu.memory_space<hbm>>) target(%dma_start3A_202 : memref<8x128xf32, #tpu.memory_space<vmem>>) target_semaphore(%arg8 : memref<!tpu.dma_semaphore, #tpu.memory_space<semaphore_mem>>)
    %dma_start3A_205 = arith.constant 1 : i32
    %dma_start3A_206 = arith.constant 40 : i32
    %dma_start3A_207 = arith.constant 0 : i32
    %dma_start3A_208 = tpu.memref_slice %arg6[%dma_start3A_205, %dma_start3A_206, %dma_start3A_207] : memref<4x64x128xf32, #tpu.memory_space<vmem>> -> memref<1x8x128xf32, #tpu.memory_space<vmem>>
    %dma_start3A_209 = tpu.memref_squeeze %dma_start3A_208 : memref<1x8x128xf32, #tpu.memory_space<vmem>> -> memref<8x128xf32, #tpu.memory_space<vmem>>
    %dma_start3A_210 = arith.constant 40 : i32
    %dma_start3A_211 = tpu.memref_slice %arg2[%dma_start3A_210, %multiple_of3A_139] : memref<64x1000000xf32, #tpu.memory_space<hbm>> -> memref<8x128xf32, #tpu.memory_space<hbm>>
    %dma_start3A_212 = arith.constant 40 : i32
    %dma_start3A_213 = arith.constant 0 : i32
    %dma_start3A_214 = tpu.memref_slice %arg6[%dma_start3A_205, %dma_start3A_212, %dma_start3A_213] : memref<4x64x128xf32, #tpu.memory_space<vmem>> -> memref<1x8x128xf32, #tpu.memory_space<vmem>>
    %dma_start3A_215 = tpu.memref_squeeze %dma_start3A_214 : memref<1x8x128xf32, #tpu.memory_space<vmem>> -> memref<8x128xf32, #tpu.memory_space<vmem>>
    %dma_start3A_216 = arith.constant 40 : i32
    %dma_start3A_217 = tpu.memref_slice %arg2[%dma_start3A_216, %multiple_of3A_139] : memref<64x1000000xf32, #tpu.memory_space<hbm>> -> memref<8x128xf32, #tpu.memory_space<hbm>>
    tpu.enqueue_dma source(%dma_start3A_217 : memref<8x128xf32, #tpu.memory_space<hbm>>) target(%dma_start3A_215 : memref<8x128xf32, #tpu.memory_space<vmem>>) target_semaphore(%arg8 : memref<!tpu.dma_semaphore, #tpu.memory_space<semaphore_mem>>)
    %dma_start3A_218 = arith.constant 1 : i32
    %dma_start3A_219 = arith.constant 48 : i32
    %dma_start3A_220 = arith.constant 0 : i32
    %dma_start3A_221 = tpu.memref_slice %arg6[%dma_start3A_218, %dma_start3A_219, %dma_start3A_220] : memref<4x64x128xf32, #tpu.memory_space<vmem>> -> memref<1x8x128xf32, #tpu.memory_space<vmem>>
    %dma_start3A_222 = tpu.memref_squeeze %dma_start3A_221 : memref<1x8x128xf32, #tpu.memory_space<vmem>> -> memref<8x128xf32, #tpu.memory_space<vmem>>
    %dma_start3A_223 = arith.constant 48 : i32
    %dma_start3A_224 = tpu.memref_slice %arg2[%dma_start3A_223, %multiple_of3A_139] : memref<64x1000000xf32, #tpu.memory_space<hbm>> -> memref<8x128xf32, #tpu.memory_space<hbm>>
    %dma_start3A_225 = arith.constant 48 : i32
    %dma_start3A_226 = arith.constant 0 : i32
    %dma_start3A_227 = tpu.memref_slice %arg6[%dma_start3A_218, %dma_start3A_225, %dma_start3A_226] : memref<4x64x128xf32, #tpu.memory_space<vmem>> -> memref<1x8x128xf32, #tpu.memory_space<vmem>>
    %dma_start3A_228 = tpu.memref_squeeze %dma_start3A_227 : memref<1x8x128xf32, #tpu.memory_space<vmem>> -> memref<8x128xf32, #tpu.memory_space<vmem>>
    %dma_start3A_229 = arith.constant 48 : i32
    %dma_start3A_230 = tpu.memref_slice %arg2[%dma_start3A_229, %multiple_of3A_139] : memref<64x1000000xf32, #tpu.memory_space<hbm>> -> memref<8x128xf32, #tpu.memory_space<hbm>>
    tpu.enqueue_dma source(%dma_start3A_230 : memref<8x128xf32, #tpu.memory_space<hbm>>) target(%dma_start3A_228 : memref<8x128xf32, #tpu.memory_space<vmem>>) target_semaphore(%arg8 : memref<!tpu.dma_semaphore, #tpu.memory_space<semaphore_mem>>)
    %dma_start3A_231 = arith.constant 1 : i32
    %dma_start3A_232 = arith.constant 56 : i32
    %dma_start3A_233 = arith.constant 0 : i32
    %dma_start3A_234 = tpu.memref_slice %arg6[%dma_start3A_231, %dma_start3A_232, %dma_start3A_233] : memref<4x64x128xf32, #tpu.memory_space<vmem>> -> memref<1x8x128xf32, #tpu.memory_space<vmem>>
    %dma_start3A_235 = tpu.memref_squeeze %dma_start3A_234 : memref<1x8x128xf32, #tpu.memory_space<vmem>> -> memref<8x128xf32, #tpu.memory_space<vmem>>
    %dma_start3A_236 = arith.constant 56 : i32
    %dma_start3A_237 = tpu.memref_slice %arg2[%dma_start3A_236, %multiple_of3A_139] : memref<64x1000000xf32, #tpu.memory_space<hbm>> -> memref<8x128xf32, #tpu.memory_space<hbm>>
    %dma_start3A_238 = arith.constant 56 : i32
    %dma_start3A_239 = arith.constant 0 : i32
    %dma_start3A_240 = tpu.memref_slice %arg6[%dma_start3A_231, %dma_start3A_238, %dma_start3A_239] : memref<4x64x128xf32, #tpu.memory_space<vmem>> -> memref<1x8x128xf32, #tpu.memory_space<vmem>>
    %dma_start3A_241 = tpu.memref_squeeze %dma_start3A_240 : memref<1x8x128xf32, #tpu.memory_space<vmem>> -> memref<8x128xf32, #tpu.memory_space<vmem>>
    %dma_start3A_242 = arith.constant 56 : i32
    %dma_start3A_243 = tpu.memref_slice %arg2[%dma_start3A_242, %multiple_of3A_139] : memref<64x1000000xf32, #tpu.memory_space<hbm>> -> memref<8x128xf32, #tpu.memory_space<hbm>>
    tpu.enqueue_dma source(%dma_start3A_243 : memref<8x128xf32, #tpu.memory_space<hbm>>) target(%dma_start3A_241 : memref<8x128xf32, #tpu.memory_space<vmem>>) target_semaphore(%arg8 : memref<!tpu.dma_semaphore, #tpu.memory_space<semaphore_mem>>)
    %shift_right_logical3A_244 = arith.constant 7 : i32
    %shift_right_logical3A_245 = arith.shrui %select_n3A_22, %shift_right_logical3A_244 : i32
    %shift_left3A_246 = arith.constant 7 : i32
    %shift_left3A_247 = arith.shli %shift_right_logical3A_245, %shift_left3A_246 : i32
    %multiple_of3A_248 = tpu.assume_multiple %shift_left3A_247, 128 : i32
    %dma_start3A_249 = arith.constant 2 : i32
    %dma_start3A_250 = arith.constant 0 : i32
    %dma_start3A_251 = arith.constant 0 : i32
    %dma_start3A_252 = tpu.memref_slice %arg6[%dma_start3A_249, %dma_start3A_250, %dma_start3A_251] : memref<4x64x128xf32, #tpu.memory_space<vmem>> -> memref<1x8x128xf32, #tpu.memory_space<vmem>>
    %dma_start3A_253 = tpu.memref_squeeze %dma_start3A_252 : memref<1x8x128xf32, #tpu.memory_space<vmem>> -> memref<8x128xf32, #tpu.memory_space<vmem>>
    %dma_start3A_254 = arith.constant 0 : i32
    %dma_start3A_255 = tpu.memref_slice %arg2[%dma_start3A_254, %multiple_of3A_248] : memref<64x1000000xf32, #tpu.memory_space<hbm>> -> memref<8x128xf32, #tpu.memory_space<hbm>>
    %dma_start3A_256 = arith.constant 0 : i32
    %dma_start3A_257 = arith.constant 0 : i32
    %dma_start3A_258 = tpu.memref_slice %arg6[%dma_start3A_249, %dma_start3A_256, %dma_start3A_257] : memref<4x64x128xf32, #tpu.memory_space<vmem>> -> memref<1x8x128xf32, #tpu.memory_space<vmem>>
    %dma_start3A_259 = tpu.memref_squeeze %dma_start3A_258 : memref<1x8x128xf32, #tpu.memory_space<vmem>> -> memref<8x128xf32, #tpu.memory_space<vmem>>
    %dma_start3A_260 = arith.constant 0 : i32
    %dma_start3A_261 = tpu.memref_slice %arg2[%dma_start3A_260, %multiple_of3A_248] : memref<64x1000000xf32, #tpu.memory_space<hbm>> -> memref<8x128xf32, #tpu.memory_space<hbm>>
    tpu.enqueue_dma source(%dma_start3A_261 : memref<8x128xf32, #tpu.memory_space<hbm>>) target(%dma_start3A_259 : memref<8x128xf32, #tpu.memory_space<vmem>>) target_semaphore(%arg8 : memref<!tpu.dma_semaphore, #tpu.memory_space<semaphore_mem>>)
    %dma_start3A_262 = arith.constant 2 : i32
    %dma_start3A_263 = arith.constant 8 : i32
    %dma_start3A_264 = arith.constant 0 : i32
    %dma_start3A_265 = tpu.memref_slice %arg6[%dma_start3A_262, %dma_start3A_263, %dma_start3A_264] : memref<4x64x128xf32, #tpu.memory_space<vmem>> -> memref<1x8x128xf32, #tpu.memory_space<vmem>>
    %dma_start3A_266 = tpu.memref_squeeze %dma_start3A_265 : memref<1x8x128xf32, #tpu.memory_space<vmem>> -> memref<8x128xf32, #tpu.memory_space<vmem>>
    %dma_start3A_267 = arith.constant 8 : i32
    %dma_start3A_268 = tpu.memref_slice %arg2[%dma_start3A_267, %multiple_of3A_248] : memref<64x1000000xf32, #tpu.memory_space<hbm>> -> memref<8x128xf32, #tpu.memory_space<hbm>>
    %dma_start3A_269 = arith.constant 8 : i32
    %dma_start3A_270 = arith.constant 0 : i32
    %dma_start3A_271 = tpu.memref_slice %arg6[%dma_start3A_262, %dma_start3A_269, %dma_start3A_270] : memref<4x64x128xf32, #tpu.memory_space<vmem>> -> memref<1x8x128xf32, #tpu.memory_space<vmem>>
    %dma_start3A_272 = tpu.memref_squeeze %dma_start3A_271 : memref<1x8x128xf32, #tpu.memory_space<vmem>> -> memref<8x128xf32, #tpu.memory_space<vmem>>
    %dma_start3A_273 = arith.constant 8 : i32
    %dma_start3A_274 = tpu.memref_slice %arg2[%dma_start3A_273, %multiple_of3A_248] : memref<64x1000000xf32, #tpu.memory_space<hbm>> -> memref<8x128xf32, #tpu.memory_space<hbm>>
    tpu.enqueue_dma source(%dma_start3A_274 : memref<8x128xf32, #tpu.memory_space<hbm>>) target(%dma_start3A_272 : memref<8x128xf32, #tpu.memory_space<vmem>>) target_semaphore(%arg8 : memref<!tpu.dma_semaphore, #tpu.memory_space<semaphore_mem>>)
    %dma_start3A_275 = arith.constant 2 : i32
    %dma_start3A_276 = arith.constant 16 : i32
    %dma_start3A_277 = arith.constant 0 : i32
    %dma_start3A_278 = tpu.memref_slice %arg6[%dma_start3A_275, %dma_start3A_276, %dma_start3A_277] : memref<4x64x128xf32, #tpu.memory_space<vmem>> -> memref<1x8x128xf32, #tpu.memory_space<vmem>>
    %dma_start3A_279 = tpu.memref_squeeze %dma_start3A_278 : memref<1x8x128xf32, #tpu.memory_space<vmem>> -> memref<8x128xf32, #tpu.memory_space<vmem>>
    %dma_start3A_280 = arith.constant 16 : i32
    %dma_start3A_281 = tpu.memref_slice %arg2[%dma_start3A_280, %multiple_of3A_248] : memref<64x1000000xf32, #tpu.memory_space<hbm>> -> memref<8x128xf32, #tpu.memory_space<hbm>>
    %dma_start3A_282 = arith.constant 16 : i32
    %dma_start3A_283 = arith.constant 0 : i32
    %dma_start3A_284 = tpu.memref_slice %arg6[%dma_start3A_275, %dma_start3A_282, %dma_start3A_283] : memref<4x64x128xf32, #tpu.memory_space<vmem>> -> memref<1x8x128xf32, #tpu.memory_space<vmem>>
    %dma_start3A_285 = tpu.memref_squeeze %dma_start3A_284 : memref<1x8x128xf32, #tpu.memory_space<vmem>> -> memref<8x128xf32, #tpu.memory_space<vmem>>
    %dma_start3A_286 = arith.constant 16 : i32
    %dma_start3A_287 = tpu.memref_slice %arg2[%dma_start3A_286, %multiple_of3A_248] : memref<64x1000000xf32, #tpu.memory_space<hbm>> -> memref<8x128xf32, #tpu.memory_space<hbm>>
    tpu.enqueue_dma source(%dma_start3A_287 : memref<8x128xf32, #tpu.memory_space<hbm>>) target(%dma_start3A_285 : memref<8x128xf32, #tpu.memory_space<vmem>>) target_semaphore(%arg8 : memref<!tpu.dma_semaphore, #tpu.memory_space<semaphore_mem>>)
    %dma_start3A_288 = arith.constant 2 : i32
    %dma_start3A_289 = arith.constant 24 : i32
    %dma_start3A_290 = arith.constant 0 : i32
    %dma_start3A_291 = tpu.memref_slice %arg6[%dma_start3A_288, %dma_start3A_289, %dma_start3A_290] : memref<4x64x128xf32, #tpu.memory_space<vmem>> -> memref<1x8x128xf32, #tpu.memory_space<vmem>>
    %dma_start3A_292 = tpu.memref_squeeze %dma_start3A_291 : memref<1x8x128xf32, #tpu.memory_space<vmem>> -> memref<8x128xf32, #tpu.memory_space<vmem>>
    %dma_start3A_293 = arith.constant 24 : i32
    %dma_start3A_294 = tpu.memref_slice %arg2[%dma_start3A_293, %multiple_of3A_248] : memref<64x1000000xf32, #tpu.memory_space<hbm>> -> memref<8x128xf32, #tpu.memory_space<hbm>>
    %dma_start3A_295 = arith.constant 24 : i32
    %dma_start3A_296 = arith.constant 0 : i32
    %dma_start3A_297 = tpu.memref_slice %arg6[%dma_start3A_288, %dma_start3A_295, %dma_start3A_296] : memref<4x64x128xf32, #tpu.memory_space<vmem>> -> memref<1x8x128xf32, #tpu.memory_space<vmem>>
    %dma_start3A_298 = tpu.memref_squeeze %dma_start3A_297 : memref<1x8x128xf32, #tpu.memory_space<vmem>> -> memref<8x128xf32, #tpu.memory_space<vmem>>
    %dma_start3A_299 = arith.constant 24 : i32
    %dma_start3A_300 = tpu.memref_slice %arg2[%dma_start3A_299, %multiple_of3A_248] : memref<64x1000000xf32, #tpu.memory_space<hbm>> -> memref<8x128xf32, #tpu.memory_space<hbm>>
    tpu.enqueue_dma source(%dma_start3A_300 : memref<8x128xf32, #tpu.memory_space<hbm>>) target(%dma_start3A_298 : memref<8x128xf32, #tpu.memory_space<vmem>>) target_semaphore(%arg8 : memref<!tpu.dma_semaphore, #tpu.memory_space<semaphore_mem>>)
    %dma_start3A_301 = arith.constant 2 : i32
    %dma_start3A_302 = arith.constant 32 : i32
    %dma_start3A_303 = arith.constant 0 : i32
    %dma_start3A_304 = tpu.memref_slice %arg6[%dma_start3A_301, %dma_start3A_302, %dma_start3A_303] : memref<4x64x128xf32, #tpu.memory_space<vmem>> -> memref<1x8x128xf32, #tpu.memory_space<vmem>>
    %dma_start3A_305 = tpu.memref_squeeze %dma_start3A_304 : memref<1x8x128xf32, #tpu.memory_space<vmem>> -> memref<8x128xf32, #tpu.memory_space<vmem>>
    %dma_start3A_306 = arith.constant 32 : i32
    %dma_start3A_307 = tpu.memref_slice %arg2[%dma_start3A_306, %multiple_of3A_248] : memref<64x1000000xf32, #tpu.memory_space<hbm>> -> memref<8x128xf32, #tpu.memory_space<hbm>>
    %dma_start3A_308 = arith.constant 32 : i32
    %dma_start3A_309 = arith.constant 0 : i32
    %dma_start3A_310 = tpu.memref_slice %arg6[%dma_start3A_301, %dma_start3A_308, %dma_start3A_309] : memref<4x64x128xf32, #tpu.memory_space<vmem>> -> memref<1x8x128xf32, #tpu.memory_space<vmem>>
    %dma_start3A_311 = tpu.memref_squeeze %dma_start3A_310 : memref<1x8x128xf32, #tpu.memory_space<vmem>> -> memref<8x128xf32, #tpu.memory_space<vmem>>
    %dma_start3A_312 = arith.constant 32 : i32
    %dma_start3A_313 = tpu.memref_slice %arg2[%dma_start3A_312, %multiple_of3A_248] : memref<64x1000000xf32, #tpu.memory_space<hbm>> -> memref<8x128xf32, #tpu.memory_space<hbm>>
    tpu.enqueue_dma source(%dma_start3A_313 : memref<8x128xf32, #tpu.memory_space<hbm>>) target(%dma_start3A_311 : memref<8x128xf32, #tpu.memory_space<vmem>>) target_semaphore(%arg8 : memref<!tpu.dma_semaphore, #tpu.memory_space<semaphore_mem>>)
    %dma_start3A_314 = arith.constant 2 : i32
    %dma_start3A_315 = arith.constant 40 : i32
    %dma_start3A_316 = arith.constant 0 : i32
    %dma_start3A_317 = tpu.memref_slice %arg6[%dma_start3A_314, %dma_start3A_315, %dma_start3A_316] : memref<4x64x128xf32, #tpu.memory_space<vmem>> -> memref<1x8x128xf32, #tpu.memory_space<vmem>>
    %dma_start3A_318 = tpu.memref_squeeze %dma_start3A_317 : memref<1x8x128xf32, #tpu.memory_space<vmem>> -> memref<8x128xf32, #tpu.memory_space<vmem>>
    %dma_start3A_319 = arith.constant 40 : i32
    %dma_start3A_320 = tpu.memref_slice %arg2[%dma_start3A_319, %multiple_of3A_248] : memref<64x1000000xf32, #tpu.memory_space<hbm>> -> memref<8x128xf32, #tpu.memory_space<hbm>>
    %dma_start3A_321 = arith.constant 40 : i32
    %dma_start3A_322 = arith.constant 0 : i32
    %dma_start3A_323 = tpu.memref_slice %arg6[%dma_start3A_314, %dma_start3A_321, %dma_start3A_322] : memref<4x64x128xf32, #tpu.memory_space<vmem>> -> memref<1x8x128xf32, #tpu.memory_space<vmem>>
    %dma_start3A_324 = tpu.memref_squeeze %dma_start3A_323 : memref<1x8x128xf32, #tpu.memory_space<vmem>> -> memref<8x128xf32, #tpu.memory_space<vmem>>
    %dma_start3A_325 = arith.constant 40 : i32
    %dma_start3A_326 = tpu.memref_slice %arg2[%dma_start3A_325, %multiple_of3A_248] : memref<64x1000000xf32, #tpu.memory_space<hbm>> -> memref<8x128xf32, #tpu.memory_space<hbm>>
    tpu.enqueue_dma source(%dma_start3A_326 : memref<8x128xf32, #tpu.memory_space<hbm>>) target(%dma_start3A_324 : memref<8x128xf32, #tpu.memory_space<vmem>>) target_semaphore(%arg8 : memref<!tpu.dma_semaphore, #tpu.memory_space<semaphore_mem>>)
    %dma_start3A_327 = arith.constant 2 : i32
    %dma_start3A_328 = arith.constant 48 : i32
    %dma_start3A_329 = arith.constant 0 : i32
    %dma_start3A_330 = tpu.memref_slice %arg6[%dma_start3A_327, %dma_start3A_328, %dma_start3A_329] : memref<4x64x128xf32, #tpu.memory_space<vmem>> -> memref<1x8x128xf32, #tpu.memory_space<vmem>>
    %dma_start3A_331 = tpu.memref_squeeze %dma_start3A_330 : memref<1x8x128xf32, #tpu.memory_space<vmem>> -> memref<8x128xf32, #tpu.memory_space<vmem>>
    %dma_start3A_332 = arith.constant 48 : i32
    %dma_start3A_333 = tpu.memref_slice %arg2[%dma_start3A_332, %multiple_of3A_248] : memref<64x1000000xf32, #tpu.memory_space<hbm>> -> memref<8x128xf32, #tpu.memory_space<hbm>>
    %dma_start3A_334 = arith.constant 48 : i32
    %dma_start3A_335 = arith.constant 0 : i32
    %dma_start3A_336 = tpu.memref_slice %arg6[%dma_start3A_327, %dma_start3A_334, %dma_start3A_335] : memref<4x64x128xf32, #tpu.memory_space<vmem>> -> memref<1x8x128xf32, #tpu.memory_space<vmem>>
    %dma_start3A_337 = tpu.memref_squeeze %dma_start3A_336 : memref<1x8x128xf32, #tpu.memory_space<vmem>> -> memref<8x128xf32, #tpu.memory_space<vmem>>
    %dma_start3A_338 = arith.constant 48 : i32
    %dma_start3A_339 = tpu.memref_slice %arg2[%dma_start3A_338, %multiple_of3A_248] : memref<64x1000000xf32, #tpu.memory_space<hbm>> -> memref<8x128xf32, #tpu.memory_space<hbm>>
    tpu.enqueue_dma source(%dma_start3A_339 : memref<8x128xf32, #tpu.memory_space<hbm>>) target(%dma_start3A_337 : memref<8x128xf32, #tpu.memory_space<vmem>>) target_semaphore(%arg8 : memref<!tpu.dma_semaphore, #tpu.memory_space<semaphore_mem>>)
    %dma_start3A_340 = arith.constant 2 : i32
    %dma_start3A_341 = arith.constant 56 : i32
    %dma_start3A_342 = arith.constant 0 : i32
    %dma_start3A_343 = tpu.memref_slice %arg6[%dma_start3A_340, %dma_start3A_341, %dma_start3A_342] : memref<4x64x128xf32, #tpu.memory_space<vmem>> -> memref<1x8x128xf32, #tpu.memory_space<vmem>>
    %dma_start3A_344 = tpu.memref_squeeze %dma_start3A_343 : memref<1x8x128xf32, #tpu.memory_space<vmem>> -> memref<8x128xf32, #tpu.memory_space<vmem>>
    %dma_start3A_345 = arith.constant 56 : i32
    %dma_start3A_346 = tpu.memref_slice %arg2[%dma_start3A_345, %multiple_of3A_248] : memref<64x1000000xf32, #tpu.memory_space<hbm>> -> memref<8x128xf32, #tpu.memory_space<hbm>>
    %dma_start3A_347 = arith.constant 56 : i32
    %dma_start3A_348 = arith.constant 0 : i32
    %dma_start3A_349 = tpu.memref_slice %arg6[%dma_start3A_340, %dma_start3A_347, %dma_start3A_348] : memref<4x64x128xf32, #tpu.memory_space<vmem>> -> memref<1x8x128xf32, #tpu.memory_space<vmem>>
    %dma_start3A_350 = tpu.memref_squeeze %dma_start3A_349 : memref<1x8x128xf32, #tpu.memory_space<vmem>> -> memref<8x128xf32, #tpu.memory_space<vmem>>
    %dma_start3A_351 = arith.constant 56 : i32
    %dma_start3A_352 = tpu.memref_slice %arg2[%dma_start3A_351, %multiple_of3A_248] : memref<64x1000000xf32, #tpu.memory_space<hbm>> -> memref<8x128xf32, #tpu.memory_space<hbm>>
    tpu.enqueue_dma source(%dma_start3A_352 : memref<8x128xf32, #tpu.memory_space<hbm>>) target(%dma_start3A_350 : memref<8x128xf32, #tpu.memory_space<vmem>>) target_semaphore(%arg8 : memref<!tpu.dma_semaphore, #tpu.memory_space<semaphore_mem>>)
    %shift_right_logical3A_353 = arith.constant 7 : i32
    %shift_right_logical3A_354 = arith.shrui %select_n3A_29, %shift_right_logical3A_353 : i32
    %shift_left3A_355 = arith.constant 7 : i32
    %shift_left3A_356 = arith.shli %shift_right_logical3A_354, %shift_left3A_355 : i32
    %multiple_of3A_357 = tpu.assume_multiple %shift_left3A_356, 128 : i32
    %dma_start3A_358 = arith.constant 3 : i32
    %dma_start3A_359 = arith.constant 0 : i32
    %dma_start3A_360 = arith.constant 0 : i32
    %dma_start3A_361 = tpu.memref_slice %arg6[%dma_start3A_358, %dma_start3A_359, %dma_start3A_360] : memref<4x64x128xf32, #tpu.memory_space<vmem>> -> memref<1x8x128xf32, #tpu.memory_space<vmem>>
    %dma_start3A_362 = tpu.memref_squeeze %dma_start3A_361 : memref<1x8x128xf32, #tpu.memory_space<vmem>> -> memref<8x128xf32, #tpu.memory_space<vmem>>
    %dma_start3A_363 = arith.constant 0 : i32
    %dma_start3A_364 = tpu.memref_slice %arg2[%dma_start3A_363, %multiple_of3A_357] : memref<64x1000000xf32, #tpu.memory_space<hbm>> -> memref<8x128xf32, #tpu.memory_space<hbm>>
    %dma_start3A_365 = arith.constant 0 : i32
    %dma_start3A_366 = arith.constant 0 : i32
    %dma_start3A_367 = tpu.memref_slice %arg6[%dma_start3A_358, %dma_start3A_365, %dma_start3A_366] : memref<4x64x128xf32, #tpu.memory_space<vmem>> -> memref<1x8x128xf32, #tpu.memory_space<vmem>>
    %dma_start3A_368 = tpu.memref_squeeze %dma_start3A_367 : memref<1x8x128xf32, #tpu.memory_space<vmem>> -> memref<8x128xf32, #tpu.memory_space<vmem>>
    %dma_start3A_369 = arith.constant 0 : i32
    %dma_start3A_370 = tpu.memref_slice %arg2[%dma_start3A_369, %multiple_of3A_357] : memref<64x1000000xf32, #tpu.memory_space<hbm>> -> memref<8x128xf32, #tpu.memory_space<hbm>>
    tpu.enqueue_dma source(%dma_start3A_370 : memref<8x128xf32, #tpu.memory_space<hbm>>) target(%dma_start3A_368 : memref<8x128xf32, #tpu.memory_space<vmem>>) target_semaphore(%arg8 : memref<!tpu.dma_semaphore, #tpu.memory_space<semaphore_mem>>)
    %dma_start3A_371 = arith.constant 3 : i32
    %dma_start3A_372 = arith.constant 8 : i32
    %dma_start3A_373 = arith.constant 0 : i32
    %dma_start3A_374 = tpu.memref_slice %arg6[%dma_start3A_371, %dma_start3A_372, %dma_start3A_373] : memref<4x64x128xf32, #tpu.memory_space<vmem>> -> memref<1x8x128xf32, #tpu.memory_space<vmem>>
    %dma_start3A_375 = tpu.memref_squeeze %dma_start3A_374 : memref<1x8x128xf32, #tpu.memory_space<vmem>> -> memref<8x128xf32, #tpu.memory_space<vmem>>
    %dma_start3A_376 = arith.constant 8 : i32
    %dma_start3A_377 = tpu.memref_slice %arg2[%dma_start3A_376, %multiple_of3A_357] : memref<64x1000000xf32, #tpu.memory_space<hbm>> -> memref<8x128xf32, #tpu.memory_space<hbm>>
    %dma_start3A_378 = arith.constant 8 : i32
    %dma_start3A_379 = arith.constant 0 : i32
    %dma_start3A_380 = tpu.memref_slice %arg6[%dma_start3A_371, %dma_start3A_378, %dma_start3A_379] : memref<4x64x128xf32, #tpu.memory_space<vmem>> -> memref<1x8x128xf32, #tpu.memory_space<vmem>>
    %dma_start3A_381 = tpu.memref_squeeze %dma_start3A_380 : memref<1x8x128xf32, #tpu.memory_space<vmem>> -> memref<8x128xf32, #tpu.memory_space<vmem>>
    %dma_start3A_382 = arith.constant 8 : i32
    %dma_start3A_383 = tpu.memref_slice %arg2[%dma_start3A_382, %multiple_of3A_357] : memref<64x1000000xf32, #tpu.memory_space<hbm>> -> memref<8x128xf32, #tpu.memory_space<hbm>>
    tpu.enqueue_dma source(%dma_start3A_383 : memref<8x128xf32, #tpu.memory_space<hbm>>) target(%dma_start3A_381 : memref<8x128xf32, #tpu.memory_space<vmem>>) target_semaphore(%arg8 : memref<!tpu.dma_semaphore, #tpu.memory_space<semaphore_mem>>)
    %dma_start3A_384 = arith.constant 3 : i32
    %dma_start3A_385 = arith.constant 16 : i32
    %dma_start3A_386 = arith.constant 0 : i32
    %dma_start3A_387 = tpu.memref_slice %arg6[%dma_start3A_384, %dma_start3A_385, %dma_start3A_386] : memref<4x64x128xf32, #tpu.memory_space<vmem>> -> memref<1x8x128xf32, #tpu.memory_space<vmem>>
    %dma_start3A_388 = tpu.memref_squeeze %dma_start3A_387 : memref<1x8x128xf32, #tpu.memory_space<vmem>> -> memref<8x128xf32, #tpu.memory_space<vmem>>
    %dma_start3A_389 = arith.constant 16 : i32
    %dma_start3A_390 = tpu.memref_slice %arg2[%dma_start3A_389, %multiple_of3A_357] : memref<64x1000000xf32, #tpu.memory_space<hbm>> -> memref<8x128xf32, #tpu.memory_space<hbm>>
    %dma_start3A_391 = arith.constant 16 : i32
    %dma_start3A_392 = arith.constant 0 : i32
    %dma_start3A_393 = tpu.memref_slice %arg6[%dma_start3A_384, %dma_start3A_391, %dma_start3A_392] : memref<4x64x128xf32, #tpu.memory_space<vmem>> -> memref<1x8x128xf32, #tpu.memory_space<vmem>>
    %dma_start3A_394 = tpu.memref_squeeze %dma_start3A_393 : memref<1x8x128xf32, #tpu.memory_space<vmem>> -> memref<8x128xf32, #tpu.memory_space<vmem>>
    %dma_start3A_395 = arith.constant 16 : i32
    %dma_start3A_396 = tpu.memref_slice %arg2[%dma_start3A_395, %multiple_of3A_357] : memref<64x1000000xf32, #tpu.memory_space<hbm>> -> memref<8x128xf32, #tpu.memory_space<hbm>>
    tpu.enqueue_dma source(%dma_start3A_396 : memref<8x128xf32, #tpu.memory_space<hbm>>) target(%dma_start3A_394 : memref<8x128xf32, #tpu.memory_space<vmem>>) target_semaphore(%arg8 : memref<!tpu.dma_semaphore, #tpu.memory_space<semaphore_mem>>)
    %dma_start3A_397 = arith.constant 3 : i32
    %dma_start3A_398 = arith.constant 24 : i32
    %dma_start3A_399 = arith.constant 0 : i32
    %dma_start3A_400 = tpu.memref_slice %arg6[%dma_start3A_397, %dma_start3A_398, %dma_start3A_399] : memref<4x64x128xf32, #tpu.memory_space<vmem>> -> memref<1x8x128xf32, #tpu.memory_space<vmem>>
    %dma_start3A_401 = tpu.memref_squeeze %dma_start3A_400 : memref<1x8x128xf32, #tpu.memory_space<vmem>> -> memref<8x128xf32, #tpu.memory_space<vmem>>
    %dma_start3A_402 = arith.constant 24 : i32
    %dma_start3A_403 = tpu.memref_slice %arg2[%dma_start3A_402, %multiple_of3A_357] : memref<64x1000000xf32, #tpu.memory_space<hbm>> -> memref<8x128xf32, #tpu.memory_space<hbm>>
    %dma_start3A_404 = arith.constant 24 : i32
    %dma_start3A_405 = arith.constant 0 : i32
    %dma_start3A_406 = tpu.memref_slice %arg6[%dma_start3A_397, %dma_start3A_404, %dma_start3A_405] : memref<4x64x128xf32, #tpu.memory_space<vmem>> -> memref<1x8x128xf32, #tpu.memory_space<vmem>>
    %dma_start3A_407 = tpu.memref_squeeze %dma_start3A_406 : memref<1x8x128xf32, #tpu.memory_space<vmem>> -> memref<8x128xf32, #tpu.memory_space<vmem>>
    %dma_start3A_408 = arith.constant 24 : i32
    %dma_start3A_409 = tpu.memref_slice %arg2[%dma_start3A_408, %multiple_of3A_357] : memref<64x1000000xf32, #tpu.memory_space<hbm>> -> memref<8x128xf32, #tpu.memory_space<hbm>>
    tpu.enqueue_dma source(%dma_start3A_409 : memref<8x128xf32, #tpu.memory_space<hbm>>) target(%dma_start3A_407 : memref<8x128xf32, #tpu.memory_space<vmem>>) target_semaphore(%arg8 : memref<!tpu.dma_semaphore, #tpu.memory_space<semaphore_mem>>)
    %dma_start3A_410 = arith.constant 3 : i32
    %dma_start3A_411 = arith.constant 32 : i32
    %dma_start3A_412 = arith.constant 0 : i32
    %dma_start3A_413 = tpu.memref_slice %arg6[%dma_start3A_410, %dma_start3A_411, %dma_start3A_412] : memref<4x64x128xf32, #tpu.memory_space<vmem>> -> memref<1x8x128xf32, #tpu.memory_space<vmem>>
    %dma_start3A_414 = tpu.memref_squeeze %dma_start3A_413 : memref<1x8x128xf32, #tpu.memory_space<vmem>> -> memref<8x128xf32, #tpu.memory_space<vmem>>
    %dma_start3A_415 = arith.constant 32 : i32
    %dma_start3A_416 = tpu.memref_slice %arg2[%dma_start3A_415, %multiple_of3A_357] : memref<64x1000000xf32, #tpu.memory_space<hbm>> -> memref<8x128xf32, #tpu.memory_space<hbm>>
    %dma_start3A_417 = arith.constant 32 : i32
    %dma_start3A_418 = arith.constant 0 : i32
    %dma_start3A_419 = tpu.memref_slice %arg6[%dma_start3A_410, %dma_start3A_417, %dma_start3A_418] : memref<4x64x128xf32, #tpu.memory_space<vmem>> -> memref<1x8x128xf32, #tpu.memory_space<vmem>>
    %dma_start3A_420 = tpu.memref_squeeze %dma_start3A_419 : memref<1x8x128xf32, #tpu.memory_space<vmem>> -> memref<8x128xf32, #tpu.memory_space<vmem>>
    %dma_start3A_421 = arith.constant 32 : i32
    %dma_start3A_422 = tpu.memref_slice %arg2[%dma_start3A_421, %multiple_of3A_357] : memref<64x1000000xf32, #tpu.memory_space<hbm>> -> memref<8x128xf32, #tpu.memory_space<hbm>>
    tpu.enqueue_dma source(%dma_start3A_422 : memref<8x128xf32, #tpu.memory_space<hbm>>) target(%dma_start3A_420 : memref<8x128xf32, #tpu.memory_space<vmem>>) target_semaphore(%arg8 : memref<!tpu.dma_semaphore, #tpu.memory_space<semaphore_mem>>)
    %dma_start3A_423 = arith.constant 3 : i32
    %dma_start3A_424 = arith.constant 40 : i32
    %dma_start3A_425 = arith.constant 0 : i32
    %dma_start3A_426 = tpu.memref_slice %arg6[%dma_start3A_423, %dma_start3A_424, %dma_start3A_425] : memref<4x64x128xf32, #tpu.memory_space<vmem>> -> memref<1x8x128xf32, #tpu.memory_space<vmem>>
    %dma_start3A_427 = tpu.memref_squeeze %dma_start3A_426 : memref<1x8x128xf32, #tpu.memory_space<vmem>> -> memref<8x128xf32, #tpu.memory_space<vmem>>
    %dma_start3A_428 = arith.constant 40 : i32
    %dma_start3A_429 = tpu.memref_slice %arg2[%dma_start3A_428, %multiple_of3A_357] : memref<64x1000000xf32, #tpu.memory_space<hbm>> -> memref<8x128xf32, #tpu.memory_space<hbm>>
    %dma_start3A_430 = arith.constant 40 : i32
    %dma_start3A_431 = arith.constant 0 : i32
    %dma_start3A_432 = tpu.memref_slice %arg6[%dma_start3A_423, %dma_start3A_430, %dma_start3A_431] : memref<4x64x128xf32, #tpu.memory_space<vmem>> -> memref<1x8x128xf32, #tpu.memory_space<vmem>>
    %dma_start3A_433 = tpu.memref_squeeze %dma_start3A_432 : memref<1x8x128xf32, #tpu.memory_space<vmem>> -> memref<8x128xf32, #tpu.memory_space<vmem>>
    %dma_start3A_434 = arith.constant 40 : i32
    %dma_start3A_435 = tpu.memref_slice %arg2[%dma_start3A_434, %multiple_of3A_357] : memref<64x1000000xf32, #tpu.memory_space<hbm>> -> memref<8x128xf32, #tpu.memory_space<hbm>>
    tpu.enqueue_dma source(%dma_start3A_435 : memref<8x128xf32, #tpu.memory_space<hbm>>) target(%dma_start3A_433 : memref<8x128xf32, #tpu.memory_space<vmem>>) target_semaphore(%arg8 : memref<!tpu.dma_semaphore, #tpu.memory_space<semaphore_mem>>)
    %dma_start3A_436 = arith.constant 3 : i32
    %dma_start3A_437 = arith.constant 48 : i32
    %dma_start3A_438 = arith.constant 0 : i32
    %dma_start3A_439 = tpu.memref_slice %arg6[%dma_start3A_436, %dma_start3A_437, %dma_start3A_438] : memref<4x64x128xf32, #tpu.memory_space<vmem>> -> memref<1x8x128xf32, #tpu.memory_space<vmem>>
    %dma_start3A_440 = tpu.memref_squeeze %dma_start3A_439 : memref<1x8x128xf32, #tpu.memory_space<vmem>> -> memref<8x128xf32, #tpu.memory_space<vmem>>
    %dma_start3A_441 = arith.constant 48 : i32
    %dma_start3A_442 = tpu.memref_slice %arg2[%dma_start3A_441, %multiple_of3A_357] : memref<64x1000000xf32, #tpu.memory_space<hbm>> -> memref<8x128xf32, #tpu.memory_space<hbm>>
    %dma_start3A_443 = arith.constant 48 : i32
    %dma_start3A_444 = arith.constant 0 : i32
    %dma_start3A_445 = tpu.memref_slice %arg6[%dma_start3A_436, %dma_start3A_443, %dma_start3A_444] : memref<4x64x128xf32, #tpu.memory_space<vmem>> -> memref<1x8x128xf32, #tpu.memory_space<vmem>>
    %dma_start3A_446 = tpu.memref_squeeze %dma_start3A_445 : memref<1x8x128xf32, #tpu.memory_space<vmem>> -> memref<8x128xf32, #tpu.memory_space<vmem>>
    %dma_start3A_447 = arith.constant 48 : i32
    %dma_start3A_448 = tpu.memref_slice %arg2[%dma_start3A_447, %multiple_of3A_357] : memref<64x1000000xf32, #tpu.memory_space<hbm>> -> memref<8x128xf32, #tpu.memory_space<hbm>>
    tpu.enqueue_dma source(%dma_start3A_448 : memref<8x128xf32, #tpu.memory_space<hbm>>) target(%dma_start3A_446 : memref<8x128xf32, #tpu.memory_space<vmem>>) target_semaphore(%arg8 : memref<!tpu.dma_semaphore, #tpu.memory_space<semaphore_mem>>)
    %dma_start3A_449 = arith.constant 3 : i32
    %dma_start3A_450 = arith.constant 56 : i32
    %dma_start3A_451 = arith.constant 0 : i32
    %dma_start3A_452 = tpu.memref_slice %arg6[%dma_start3A_449, %dma_start3A_450, %dma_start3A_451] : memref<4x64x128xf32, #tpu.memory_space<vmem>> -> memref<1x8x128xf32, #tpu.memory_space<vmem>>
    %dma_start3A_453 = tpu.memref_squeeze %dma_start3A_452 : memref<1x8x128xf32, #tpu.memory_space<vmem>> -> memref<8x128xf32, #tpu.memory_space<vmem>>
    %dma_start3A_454 = arith.constant 56 : i32
    %dma_start3A_455 = tpu.memref_slice %arg2[%dma_start3A_454, %multiple_of3A_357] : memref<64x1000000xf32, #tpu.memory_space<hbm>> -> memref<8x128xf32, #tpu.memory_space<hbm>>
    %dma_start3A_456 = arith.constant 56 : i32
    %dma_start3A_457 = arith.constant 0 : i32
    %dma_start3A_458 = tpu.memref_slice %arg6[%dma_start3A_449, %dma_start3A_456, %dma_start3A_457] : memref<4x64x128xf32, #tpu.memory_space<vmem>> -> memref<1x8x128xf32, #tpu.memory_space<vmem>>
    %dma_start3A_459 = tpu.memref_squeeze %dma_start3A_458 : memref<1x8x128xf32, #tpu.memory_space<vmem>> -> memref<8x128xf32, #tpu.memory_space<vmem>>
    %dma_start3A_460 = arith.constant 56 : i32
    %dma_start3A_461 = tpu.memref_slice %arg2[%dma_start3A_460, %multiple_of3A_357] : memref<64x1000000xf32, #tpu.memory_space<hbm>> -> memref<8x128xf32, #tpu.memory_space<hbm>>
    tpu.enqueue_dma source(%dma_start3A_461 : memref<8x128xf32, #tpu.memory_space<hbm>>) target(%dma_start3A_459 : memref<8x128xf32, #tpu.memory_space<vmem>>) target_semaphore(%arg8 : memref<!tpu.dma_semaphore, #tpu.memory_space<semaphore_mem>>)
    %iota3A = tpu.iota {dimensions = array<i32: 0>} : vector<16xi32>
    %dma_wait3A = arith.constant 0 : i32
    %dma_wait3A_462 = arith.constant 0 : i32
    %dma_wait3A_463 = arith.constant 0 : i32
    %dma_wait3A_464 = tpu.memref_slice %arg6[%dma_wait3A, %dma_wait3A_462, %dma_wait3A_463] : memref<4x64x128xf32, #tpu.memory_space<vmem>> -> memref<1x8x128xf32, #tpu.memory_space<vmem>>
    %dma_wait3A_465 = tpu.memref_squeeze %dma_wait3A_464 : memref<1x8x128xf32, #tpu.memory_space<vmem>> -> memref<8x128xf32, #tpu.memory_space<vmem>>
    %dma_wait3A_466 = arith.constant 0 : i32
    %dma_wait3A_467 = tpu.memref_slice %arg2[%dma_wait3A_466, %multiple_of3A] : memref<64x1000000xf32, #tpu.memory_space<hbm>> -> memref<8x128xf32, #tpu.memory_space<hbm>>
    %dma_wait3A_468 = arith.constant 0 : i32
    %dma_wait3A_469 = arith.constant 0 : i32
    %dma_wait3A_470 = tpu.memref_slice %arg6[%dma_wait3A, %dma_wait3A_468, %dma_wait3A_469] : memref<4x64x128xf32, #tpu.memory_space<vmem>> -> memref<1x8x128xf32, #tpu.memory_space<vmem>>
    %dma_wait3A_471 = tpu.memref_squeeze %dma_wait3A_470 : memref<1x8x128xf32, #tpu.memory_space<vmem>> -> memref<8x128xf32, #tpu.memory_space<vmem>>
    %dma_wait3A_472 = arith.constant 0 : i32
    %dma_wait3A_473 = tpu.memref_slice %arg2[%dma_wait3A_472, %multiple_of3A] : memref<64x1000000xf32, #tpu.memory_space<hbm>> -> memref<8x128xf32, #tpu.memory_space<hbm>>
    tpu.wait_dma2 semaphore(%arg8 : memref<!tpu.dma_semaphore, #tpu.memory_space<semaphore_mem>>) src(%dma_wait3A_473 : memref<8x128xf32, #tpu.memory_space<hbm>>) dst(%dma_wait3A_471 : memref<8x128xf32, #tpu.memory_space<vmem>>)
    %dma_wait3A_474 = arith.constant 0 : i32
    %dma_wait3A_475 = arith.constant 8 : i32
    %dma_wait3A_476 = arith.constant 0 : i32
    %dma_wait3A_477 = tpu.memref_slice %arg6[%dma_wait3A_474, %dma_wait3A_475, %dma_wait3A_476] : memref<4x64x128xf32, #tpu.memory_space<vmem>> -> memref<1x8x128xf32, #tpu.memory_space<vmem>>
    %dma_wait3A_478 = tpu.memref_squeeze %dma_wait3A_477 : memref<1x8x128xf32, #tpu.memory_space<vmem>> -> memref<8x128xf32, #tpu.memory_space<vmem>>
    %dma_wait3A_479 = arith.constant 8 : i32
    %dma_wait3A_480 = tpu.memref_slice %arg2[%dma_wait3A_479, %multiple_of3A] : memref<64x1000000xf32, #tpu.memory_space<hbm>> -> memref<8x128xf32, #tpu.memory_space<hbm>>
    %dma_wait3A_481 = arith.constant 8 : i32
    %dma_wait3A_482 = arith.constant 0 : i32
    %dma_wait3A_483 = tpu.memref_slice %arg6[%dma_wait3A_474, %dma_wait3A_481, %dma_wait3A_482] : memref<4x64x128xf32, #tpu.memory_space<vmem>> -> memref<1x8x128xf32, #tpu.memory_space<vmem>>
    %dma_wait3A_484 = tpu.memref_squeeze %dma_wait3A_483 : memref<1x8x128xf32, #tpu.memory_space<vmem>> -> memref<8x128xf32, #tpu.memory_space<vmem>>
    %dma_wait3A_485 = arith.constant 8 : i32
    %dma_wait3A_486 = tpu.memref_slice %arg2[%dma_wait3A_485, %multiple_of3A] : memref<64x1000000xf32, #tpu.memory_space<hbm>> -> memref<8x128xf32, #tpu.memory_space<hbm>>
    tpu.wait_dma2 semaphore(%arg8 : memref<!tpu.dma_semaphore, #tpu.memory_space<semaphore_mem>>) src(%dma_wait3A_486 : memref<8x128xf32, #tpu.memory_space<hbm>>) dst(%dma_wait3A_484 : memref<8x128xf32, #tpu.memory_space<vmem>>)
    %dma_wait3A_487 = arith.constant 0 : i32
    %dma_wait3A_488 = arith.constant 16 : i32
    %dma_wait3A_489 = arith.constant 0 : i32
    %dma_wait3A_490 = tpu.memref_slice %arg6[%dma_wait3A_487, %dma_wait3A_488, %dma_wait3A_489] : memref<4x64x128xf32, #tpu.memory_space<vmem>> -> memref<1x8x128xf32, #tpu.memory_space<vmem>>
    %dma_wait3A_491 = tpu.memref_squeeze %dma_wait3A_490 : memref<1x8x128xf32, #tpu.memory_space<vmem>> -> memref<8x128xf32, #tpu.memory_space<vmem>>
    %dma_wait3A_492 = arith.constant 16 : i32
    %dma_wait3A_493 = tpu.memref_slice %arg2[%dma_wait3A_492, %multiple_of3A] : memref<64x1000000xf32, #tpu.memory_space<hbm>> -> memref<8x128xf32, #tpu.memory_space<hbm>>
    %dma_wait3A_494 = arith.constant 16 : i32
    %dma_wait3A_495 = arith.constant 0 : i32
    %dma_wait3A_496 = tpu.memref_slice %arg6[%dma_wait3A_487, %dma_wait3A_494, %dma_wait3A_495] : memref<4x64x128xf32, #tpu.memory_space<vmem>> -> memref<1x8x128xf32, #tpu.memory_space<vmem>>
    %dma_wait3A_497 = tpu.memref_squeeze %dma_wait3A_496 : memref<1x8x128xf32, #tpu.memory_space<vmem>> -> memref<8x128xf32, #tpu.memory_space<vmem>>
    %dma_wait3A_498 = arith.constant 16 : i32
    %dma_wait3A_499 = tpu.memref_slice %arg2[%dma_wait3A_498, %multiple_of3A] : memref<64x1000000xf32, #tpu.memory_space<hbm>> -> memref<8x128xf32, #tpu.memory_space<hbm>>
    tpu.wait_dma2 semaphore(%arg8 : memref<!tpu.dma_semaphore, #tpu.memory_space<semaphore_mem>>) src(%dma_wait3A_499 : memref<8x128xf32, #tpu.memory_space<hbm>>) dst(%dma_wait3A_497 : memref<8x128xf32, #tpu.memory_space<vmem>>)
    %dma_wait3A_500 = arith.constant 0 : i32
    %dma_wait3A_501 = arith.constant 24 : i32
    %dma_wait3A_502 = arith.constant 0 : i32
    %dma_wait3A_503 = tpu.memref_slice %arg6[%dma_wait3A_500, %dma_wait3A_501, %dma_wait3A_502] : memref<4x64x128xf32, #tpu.memory_space<vmem>> -> memref<1x8x128xf32, #tpu.memory_space<vmem>>
    %dma_wait3A_504 = tpu.memref_squeeze %dma_wait3A_503 : memref<1x8x128xf32, #tpu.memory_space<vmem>> -> memref<8x128xf32, #tpu.memory_space<vmem>>
    %dma_wait3A_505 = arith.constant 24 : i32
    %dma_wait3A_506 = tpu.memref_slice %arg2[%dma_wait3A_505, %multiple_of3A] : memref<64x1000000xf32, #tpu.memory_space<hbm>> -> memref<8x128xf32, #tpu.memory_space<hbm>>
    %dma_wait3A_507 = arith.constant 24 : i32
    %dma_wait3A_508 = arith.constant 0 : i32
    %dma_wait3A_509 = tpu.memref_slice %arg6[%dma_wait3A_500, %dma_wait3A_507, %dma_wait3A_508] : memref<4x64x128xf32, #tpu.memory_space<vmem>> -> memref<1x8x128xf32, #tpu.memory_space<vmem>>
    %dma_wait3A_510 = tpu.memref_squeeze %dma_wait3A_509 : memref<1x8x128xf32, #tpu.memory_space<vmem>> -> memref<8x128xf32, #tpu.memory_space<vmem>>
    %dma_wait3A_511 = arith.constant 24 : i32
    %dma_wait3A_512 = tpu.memref_slice %arg2[%dma_wait3A_511, %multiple_of3A] : memref<64x1000000xf32, #tpu.memory_space<hbm>> -> memref<8x128xf32, #tpu.memory_space<hbm>>
    tpu.wait_dma2 semaphore(%arg8 : memref<!tpu.dma_semaphore, #tpu.memory_space<semaphore_mem>>) src(%dma_wait3A_512 : memref<8x128xf32, #tpu.memory_space<hbm>>) dst(%dma_wait3A_510 : memref<8x128xf32, #tpu.memory_space<vmem>>)
    %dma_wait3A_513 = arith.constant 0 : i32
    %dma_wait3A_514 = arith.constant 32 : i32
    %dma_wait3A_515 = arith.constant 0 : i32
    %dma_wait3A_516 = tpu.memref_slice %arg6[%dma_wait3A_513, %dma_wait3A_514, %dma_wait3A_515] : memref<4x64x128xf32, #tpu.memory_space<vmem>> -> memref<1x8x128xf32, #tpu.memory_space<vmem>>
    %dma_wait3A_517 = tpu.memref_squeeze %dma_wait3A_516 : memref<1x8x128xf32, #tpu.memory_space<vmem>> -> memref<8x128xf32, #tpu.memory_space<vmem>>
    %dma_wait3A_518 = arith.constant 32 : i32
    %dma_wait3A_519 = tpu.memref_slice %arg2[%dma_wait3A_518, %multiple_of3A] : memref<64x1000000xf32, #tpu.memory_space<hbm>> -> memref<8x128xf32, #tpu.memory_space<hbm>>
    %dma_wait3A_520 = arith.constant 32 : i32
    %dma_wait3A_521 = arith.constant 0 : i32
    %dma_wait3A_522 = tpu.memref_slice %arg6[%dma_wait3A_513, %dma_wait3A_520, %dma_wait3A_521] : memref<4x64x128xf32, #tpu.memory_space<vmem>> -> memref<1x8x128xf32, #tpu.memory_space<vmem>>
    %dma_wait3A_523 = tpu.memref_squeeze %dma_wait3A_522 : memref<1x8x128xf32, #tpu.memory_space<vmem>> -> memref<8x128xf32, #tpu.memory_space<vmem>>
    %dma_wait3A_524 = arith.constant 32 : i32
    %dma_wait3A_525 = tpu.memref_slice %arg2[%dma_wait3A_524, %multiple_of3A] : memref<64x1000000xf32, #tpu.memory_space<hbm>> -> memref<8x128xf32, #tpu.memory_space<hbm>>
    tpu.wait_dma2 semaphore(%arg8 : memref<!tpu.dma_semaphore, #tpu.memory_space<semaphore_mem>>) src(%dma_wait3A_525 : memref<8x128xf32, #tpu.memory_space<hbm>>) dst(%dma_wait3A_523 : memref<8x128xf32, #tpu.memory_space<vmem>>)
    %dma_wait3A_526 = arith.constant 0 : i32
    %dma_wait3A_527 = arith.constant 40 : i32
    %dma_wait3A_528 = arith.constant 0 : i32
    %dma_wait3A_529 = tpu.memref_slice %arg6[%dma_wait3A_526, %dma_wait3A_527, %dma_wait3A_528] : memref<4x64x128xf32, #tpu.memory_space<vmem>> -> memref<1x8x128xf32, #tpu.memory_space<vmem>>
    %dma_wait3A_530 = tpu.memref_squeeze %dma_wait3A_529 : memref<1x8x128xf32, #tpu.memory_space<vmem>> -> memref<8x128xf32, #tpu.memory_space<vmem>>
    %dma_wait3A_531 = arith.constant 40 : i32
    %dma_wait3A_532 = tpu.memref_slice %arg2[%dma_wait3A_531, %multiple_of3A] : memref<64x1000000xf32, #tpu.memory_space<hbm>> -> memref<8x128xf32, #tpu.memory_space<hbm>>
    %dma_wait3A_533 = arith.constant 40 : i32
    %dma_wait3A_534 = arith.constant 0 : i32
    %dma_wait3A_535 = tpu.memref_slice %arg6[%dma_wait3A_526, %dma_wait3A_533, %dma_wait3A_534] : memref<4x64x128xf32, #tpu.memory_space<vmem>> -> memref<1x8x128xf32, #tpu.memory_space<vmem>>
    %dma_wait3A_536 = tpu.memref_squeeze %dma_wait3A_535 : memref<1x8x128xf32, #tpu.memory_space<vmem>> -> memref<8x128xf32, #tpu.memory_space<vmem>>
    %dma_wait3A_537 = arith.constant 40 : i32
    %dma_wait3A_538 = tpu.memref_slice %arg2[%dma_wait3A_537, %multiple_of3A] : memref<64x1000000xf32, #tpu.memory_space<hbm>> -> memref<8x128xf32, #tpu.memory_space<hbm>>
    tpu.wait_dma2 semaphore(%arg8 : memref<!tpu.dma_semaphore, #tpu.memory_space<semaphore_mem>>) src(%dma_wait3A_538 : memref<8x128xf32, #tpu.memory_space<hbm>>) dst(%dma_wait3A_536 : memref<8x128xf32, #tpu.memory_space<vmem>>)
    %dma_wait3A_539 = arith.constant 0 : i32
    %dma_wait3A_540 = arith.constant 48 : i32
    %dma_wait3A_541 = arith.constant 0 : i32
    %dma_wait3A_542 = tpu.memref_slice %arg6[%dma_wait3A_539, %dma_wait3A_540, %dma_wait3A_541] : memref<4x64x128xf32, #tpu.memory_space<vmem>> -> memref<1x8x128xf32, #tpu.memory_space<vmem>>
    %dma_wait3A_543 = tpu.memref_squeeze %dma_wait3A_542 : memref<1x8x128xf32, #tpu.memory_space<vmem>> -> memref<8x128xf32, #tpu.memory_space<vmem>>
    %dma_wait3A_544 = arith.constant 48 : i32
    %dma_wait3A_545 = tpu.memref_slice %arg2[%dma_wait3A_544, %multiple_of3A] : memref<64x1000000xf32, #tpu.memory_space<hbm>> -> memref<8x128xf32, #tpu.memory_space<hbm>>
    %dma_wait3A_546 = arith.constant 48 : i32
    %dma_wait3A_547 = arith.constant 0 : i32
    %dma_wait3A_548 = tpu.memref_slice %arg6[%dma_wait3A_539, %dma_wait3A_546, %dma_wait3A_547] : memref<4x64x128xf32, #tpu.memory_space<vmem>> -> memref<1x8x128xf32, #tpu.memory_space<vmem>>
    %dma_wait3A_549 = tpu.memref_squeeze %dma_wait3A_548 : memref<1x8x128xf32, #tpu.memory_space<vmem>> -> memref<8x128xf32, #tpu.memory_space<vmem>>
    %dma_wait3A_550 = arith.constant 48 : i32
    %dma_wait3A_551 = tpu.memref_slice %arg2[%dma_wait3A_550, %multiple_of3A] : memref<64x1000000xf32, #tpu.memory_space<hbm>> -> memref<8x128xf32, #tpu.memory_space<hbm>>
    tpu.wait_dma2 semaphore(%arg8 : memref<!tpu.dma_semaphore, #tpu.memory_space<semaphore_mem>>) src(%dma_wait3A_551 : memref<8x128xf32, #tpu.memory_space<hbm>>) dst(%dma_wait3A_549 : memref<8x128xf32, #tpu.memory_space<vmem>>)
    %dma_wait3A_552 = arith.constant 0 : i32
    %dma_wait3A_553 = arith.constant 56 : i32
    %dma_wait3A_554 = arith.constant 0 : i32
    %dma_wait3A_555 = tpu.memref_slice %arg6[%dma_wait3A_552, %dma_wait3A_553, %dma_wait3A_554] : memref<4x64x128xf32, #tpu.memory_space<vmem>> -> memref<1x8x128xf32, #tpu.memory_space<vmem>>
    %dma_wait3A_556 = tpu.memref_squeeze %dma_wait3A_555 : memref<1x8x128xf32, #tpu.memory_space<vmem>> -> memref<8x128xf32, #tpu.memory_space<vmem>>
    %dma_wait3A_557 = arith.constant 56 : i32
    %dma_wait3A_558 = tpu.memref_slice %arg2[%dma_wait3A_557, %multiple_of3A] : memref<64x1000000xf32, #tpu.memory_space<hbm>> -> memref<8x128xf32, #tpu.memory_space<hbm>>
    %dma_wait3A_559 = arith.constant 56 : i32
    %dma_wait3A_560 = arith.constant 0 : i32
    %dma_wait3A_561 = tpu.memref_slice %arg6[%dma_wait3A_552, %dma_wait3A_559, %dma_wait3A_560] : memref<4x64x128xf32, #tpu.memory_space<vmem>> -> memref<1x8x128xf32, #tpu.memory_space<vmem>>
    %dma_wait3A_562 = tpu.memref_squeeze %dma_wait3A_561 : memref<1x8x128xf32, #tpu.memory_space<vmem>> -> memref<8x128xf32, #tpu.memory_space<vmem>>
    %dma_wait3A_563 = arith.constant 56 : i32
    %dma_wait3A_564 = tpu.memref_slice %arg2[%dma_wait3A_563, %multiple_of3A] : memref<64x1000000xf32, #tpu.memory_space<hbm>> -> memref<8x128xf32, #tpu.memory_space<hbm>>
    tpu.wait_dma2 semaphore(%arg8 : memref<!tpu.dma_semaphore, #tpu.memory_space<semaphore_mem>>) src(%dma_wait3A_564 : memref<8x128xf32, #tpu.memory_space<hbm>>) dst(%dma_wait3A_562 : memref<8x128xf32, #tpu.memory_space<vmem>>)
    %and3A_565 = arith.constant 127 : i32
    %and3A_566 = arith.andi %select_n3A, %and3A_565 : i32
    %broadcast_in_dim3A = vector.broadcast %and3A_566 : i32 to vector<16xi32>
    %broadcast_in_dim3A_567 = arith.constant 0 : i32
    %broadcast_in_dim3A_568 = vector.broadcast %broadcast_in_dim3A_567 : i32 to vector<16xi32>
    %add3A_569 = arith.constant 0 : i32
    %add3A_570 = vector.broadcast %add3A_569 : i32 to vector<16xi32>
    %add3A_571 = arith.addi %iota3A, %add3A_570 : vector<16xi32>
    %gather3A = tpu.vector_load_idx %arg6[%broadcast_in_dim3A_568, %add3A_571, %broadcast_in_dim3A] : memref<4x64x128xf32, #tpu.memory_space<vmem>>[vector<16xi32>, vector<16xi32>, vector<16xi32>], vector<16xf32>,
    %swap3A = arith.constant 0 : i32
    %swap3A_572 = arith.index_cast %swap3A : i32 to index
    %swap3A_573 = arith.constant 0 : index
    %swap3A_574 = tpu.vector_load %arg7[%swap3A_572, %swap3A_573] {strides = array<i32>} : memref<4x64xf32, #tpu.memory_space<vmem>>, vector<16xf32>,
    tpu.vector_store %arg7[%swap3A_572, %swap3A_573], %gather3A {strides = array<i32>} : memref<4x64xf32, #tpu.memory_space<vmem>>, vector<16xf32>,
    %add3A_575 = arith.constant 16 : i32
    %add3A_576 = vector.broadcast %add3A_575 : i32 to vector<16xi32>
    %add3A_577 = arith.addi %iota3A, %add3A_576 : vector<16xi32>
    %gather3A_578 = tpu.vector_load_idx %arg6[%broadcast_in_dim3A_568, %add3A_577, %broadcast_in_dim3A] : memref<4x64x128xf32, #tpu.memory_space<vmem>>[vector<16xi32>, vector<16xi32>, vector<16xi32>], vector<16xf32>,
    %swap3A_579 = arith.constant 0 : i32
    %swap3A_580 = arith.index_cast %swap3A_579 : i32 to index
    %swap3A_581 = arith.constant 16 : index
    %swap3A_582 = tpu.vector_load %arg7[%swap3A_580, %swap3A_581] {strides = array<i32>} : memref<4x64xf32, #tpu.memory_space<vmem>>, vector<16xf32>,
    tpu.vector_store %arg7[%swap3A_580, %swap3A_581], %gather3A_578 {strides = array<i32>} : memref<4x64xf32, #tpu.memory_space<vmem>>, vector<16xf32>,
    %add3A_583 = arith.constant 32 : i32
    %add3A_584 = vector.broadcast %add3A_583 : i32 to vector<16xi32>
    %add3A_585 = arith.addi %iota3A, %add3A_584 : vector<16xi32>
    %gather3A_586 = tpu.vector_load_idx %arg6[%broadcast_in_dim3A_568, %add3A_585, %broadcast_in_dim3A] : memref<4x64x128xf32, #tpu.memory_space<vmem>>[vector<16xi32>, vector<16xi32>, vector<16xi32>], vector<16xf32>,
    %swap3A_587 = arith.constant 0 : i32
    %swap3A_588 = arith.index_cast %swap3A_587 : i32 to index
    %swap3A_589 = arith.constant 32 : index
    %swap3A_590 = tpu.vector_load %arg7[%swap3A_588, %swap3A_589] {strides = array<i32>} : memref<4x64xf32, #tpu.memory_space<vmem>>, vector<16xf32>,
    tpu.vector_store %arg7[%swap3A_588, %swap3A_589], %gather3A_586 {strides = array<i32>} : memref<4x64xf32, #tpu.memory_space<vmem>>, vector<16xf32>,
    %add3A_591 = arith.constant 48 : i32
    %add3A_592 = vector.broadcast %add3A_591 : i32 to vector<16xi32>
    %add3A_593 = arith.addi %iota3A, %add3A_592 : vector<16xi32>
    %gather3A_594 = tpu.vector_load_idx %arg6[%broadcast_in_dim3A_568, %add3A_593, %broadcast_in_dim3A] : memref<4x64x128xf32, #tpu.memory_space<vmem>>[vector<16xi32>, vector<16xi32>, vector<16xi32>], vector<16xf32>,
    %swap3A_595 = arith.constant 0 : i32
    %swap3A_596 = arith.index_cast %swap3A_595 : i32 to index
    %swap3A_597 = arith.constant 48 : index
    %swap3A_598 = tpu.vector_load %arg7[%swap3A_596, %swap3A_597] {strides = array<i32>} : memref<4x64xf32, #tpu.memory_space<vmem>>, vector<16xf32>,
    tpu.vector_store %arg7[%swap3A_596, %swap3A_597], %gather3A_594 {strides = array<i32>} : memref<4x64xf32, #tpu.memory_space<vmem>>, vector<16xf32>,
    %dma_wait3A_599 = arith.constant 1 : i32
    %dma_wait3A_600 = arith.constant 0 : i32
    %dma_wait3A_601 = arith.constant 0 : i32
    %dma_wait3A_602 = tpu.memref_slice %arg6[%dma_wait3A_599, %dma_wait3A_600, %dma_wait3A_601] : memref<4x64x128xf32, #tpu.memory_space<vmem>> -> memref<1x8x128xf32, #tpu.memory_space<vmem>>
    %dma_wait3A_603 = tpu.memref_squeeze %dma_wait3A_602 : memref<1x8x128xf32, #tpu.memory_space<vmem>> -> memref<8x128xf32, #tpu.memory_space<vmem>>
    %dma_wait3A_604 = arith.constant 0 : i32
    %dma_wait3A_605 = tpu.memref_slice %arg2[%dma_wait3A_604, %multiple_of3A_139] : memref<64x1000000xf32, #tpu.memory_space<hbm>> -> memref<8x128xf32, #tpu.memory_space<hbm>>
    %dma_wait3A_606 = arith.constant 0 : i32
    %dma_wait3A_607 = arith.constant 0 : i32
    %dma_wait3A_608 = tpu.memref_slice %arg6[%dma_wait3A_599, %dma_wait3A_606, %dma_wait3A_607] : memref<4x64x128xf32, #tpu.memory_space<vmem>> -> memref<1x8x128xf32, #tpu.memory_space<vmem>>
    %dma_wait3A_609 = tpu.memref_squeeze %dma_wait3A_608 : memref<1x8x128xf32, #tpu.memory_space<vmem>> -> memref<8x128xf32, #tpu.memory_space<vmem>>
    %dma_wait3A_610 = arith.constant 0 : i32
    %dma_wait3A_611 = tpu.memref_slice %arg2[%dma_wait3A_610, %multiple_of3A_139] : memref<64x1000000xf32, #tpu.memory_space<hbm>> -> memref<8x128xf32, #tpu.memory_space<hbm>>
    tpu.wait_dma2 semaphore(%arg8 : memref<!tpu.dma_semaphore, #tpu.memory_space<semaphore_mem>>) src(%dma_wait3A_611 : memref<8x128xf32, #tpu.memory_space<hbm>>) dst(%dma_wait3A_609 : memref<8x128xf32, #tpu.memory_space<vmem>>)
    %dma_wait3A_612 = arith.constant 1 : i32
    %dma_wait3A_613 = arith.constant 8 : i32
    %dma_wait3A_614 = arith.constant 0 : i32
    %dma_wait3A_615 = tpu.memref_slice %arg6[%dma_wait3A_612, %dma_wait3A_613, %dma_wait3A_614] : memref<4x64x128xf32, #tpu.memory_space<vmem>> -> memref<1x8x128xf32, #tpu.memory_space<vmem>>
    %dma_wait3A_616 = tpu.memref_squeeze %dma_wait3A_615 : memref<1x8x128xf32, #tpu.memory_space<vmem>> -> memref<8x128xf32, #tpu.memory_space<vmem>>
    %dma_wait3A_617 = arith.constant 8 : i32
    %dma_wait3A_618 = tpu.memref_slice %arg2[%dma_wait3A_617, %multiple_of3A_139] : memref<64x1000000xf32, #tpu.memory_space<hbm>> -> memref<8x128xf32, #tpu.memory_space<hbm>>
    %dma_wait3A_619 = arith.constant 8 : i32
    %dma_wait3A_620 = arith.constant 0 : i32
    %dma_wait3A_621 = tpu.memref_slice %arg6[%dma_wait3A_612, %dma_wait3A_619, %dma_wait3A_620] : memref<4x64x128xf32, #tpu.memory_space<vmem>> -> memref<1x8x128xf32, #tpu.memory_space<vmem>>
    %dma_wait3A_622 = tpu.memref_squeeze %dma_wait3A_621 : memref<1x8x128xf32, #tpu.memory_space<vmem>> -> memref<8x128xf32, #tpu.memory_space<vmem>>
    %dma_wait3A_623 = arith.constant 8 : i32
    %dma_wait3A_624 = tpu.memref_slice %arg2[%dma_wait3A_623, %multiple_of3A_139] : memref<64x1000000xf32, #tpu.memory_space<hbm>> -> memref<8x128xf32, #tpu.memory_space<hbm>>
    tpu.wait_dma2 semaphore(%arg8 : memref<!tpu.dma_semaphore, #tpu.memory_space<semaphore_mem>>) src(%dma_wait3A_624 : memref<8x128xf32, #tpu.memory_space<hbm>>) dst(%dma_wait3A_622 : memref<8x128xf32, #tpu.memory_space<vmem>>)
    %dma_wait3A_625 = arith.constant 1 : i32
    %dma_wait3A_626 = arith.constant 16 : i32
    %dma_wait3A_627 = arith.constant 0 : i32
    %dma_wait3A_628 = tpu.memref_slice %arg6[%dma_wait3A_625, %dma_wait3A_626, %dma_wait3A_627] : memref<4x64x128xf32, #tpu.memory_space<vmem>> -> memref<1x8x128xf32, #tpu.memory_space<vmem>>
    %dma_wait3A_629 = tpu.memref_squeeze %dma_wait3A_628 : memref<1x8x128xf32, #tpu.memory_space<vmem>> -> memref<8x128xf32, #tpu.memory_space<vmem>>
    %dma_wait3A_630 = arith.constant 16 : i32
    %dma_wait3A_631 = tpu.memref_slice %arg2[%dma_wait3A_630, %multiple_of3A_139] : memref<64x1000000xf32, #tpu.memory_space<hbm>> -> memref<8x128xf32, #tpu.memory_space<hbm>>
    %dma_wait3A_632 = arith.constant 16 : i32
    %dma_wait3A_633 = arith.constant 0 : i32
    %dma_wait3A_634 = tpu.memref_slice %arg6[%dma_wait3A_625, %dma_wait3A_632, %dma_wait3A_633] : memref<4x64x128xf32, #tpu.memory_space<vmem>> -> memref<1x8x128xf32, #tpu.memory_space<vmem>>
    %dma_wait3A_635 = tpu.memref_squeeze %dma_wait3A_634 : memref<1x8x128xf32, #tpu.memory_space<vmem>> -> memref<8x128xf32, #tpu.memory_space<vmem>>
    %dma_wait3A_636 = arith.constant 16 : i32
    %dma_wait3A_637 = tpu.memref_slice %arg2[%dma_wait3A_636, %multiple_of3A_139] : memref<64x1000000xf32, #tpu.memory_space<hbm>> -> memref<8x128xf32, #tpu.memory_space<hbm>>
    tpu.wait_dma2 semaphore(%arg8 : memref<!tpu.dma_semaphore, #tpu.memory_space<semaphore_mem>>) src(%dma_wait3A_637 : memref<8x128xf32, #tpu.memory_space<hbm>>) dst(%dma_wait3A_635 : memref<8x128xf32, #tpu.memory_space<vmem>>)
    %dma_wait3A_638 = arith.constant 1 : i32
    %dma_wait3A_639 = arith.constant 24 : i32
    %dma_wait3A_640 = arith.constant 0 : i32
    %dma_wait3A_641 = tpu.memref_slice %arg6[%dma_wait3A_638, %dma_wait3A_639, %dma_wait3A_640] : memref<4x64x128xf32, #tpu.memory_space<vmem>> -> memref<1x8x128xf32, #tpu.memory_space<vmem>>
    %dma_wait3A_642 = tpu.memref_squeeze %dma_wait3A_641 : memref<1x8x128xf32, #tpu.memory_space<vmem>> -> memref<8x128xf32, #tpu.memory_space<vmem>>
    %dma_wait3A_643 = arith.constant 24 : i32
    %dma_wait3A_644 = tpu.memref_slice %arg2[%dma_wait3A_643, %multiple_of3A_139] : memref<64x1000000xf32, #tpu.memory_space<hbm>> -> memref<8x128xf32, #tpu.memory_space<hbm>>
    %dma_wait3A_645 = arith.constant 24 : i32
    %dma_wait3A_646 = arith.constant 0 : i32
    %dma_wait3A_647 = tpu.memref_slice %arg6[%dma_wait3A_638, %dma_wait3A_645, %dma_wait3A_646] : memref<4x64x128xf32, #tpu.memory_space<vmem>> -> memref<1x8x128xf32, #tpu.memory_space<vmem>>
    %dma_wait3A_648 = tpu.memref_squeeze %dma_wait3A_647 : memref<1x8x128xf32, #tpu.memory_space<vmem>> -> memref<8x128xf32, #tpu.memory_space<vmem>>
    %dma_wait3A_649 = arith.constant 24 : i32
    %dma_wait3A_650 = tpu.memref_slice %arg2[%dma_wait3A_649, %multiple_of3A_139] : memref<64x1000000xf32, #tpu.memory_space<hbm>> -> memref<8x128xf32, #tpu.memory_space<hbm>>
    tpu.wait_dma2 semaphore(%arg8 : memref<!tpu.dma_semaphore, #tpu.memory_space<semaphore_mem>>) src(%dma_wait3A_650 : memref<8x128xf32, #tpu.memory_space<hbm>>) dst(%dma_wait3A_648 : memref<8x128xf32, #tpu.memory_space<vmem>>)
    %dma_wait3A_651 = arith.constant 1 : i32
    %dma_wait3A_652 = arith.constant 32 : i32
    %dma_wait3A_653 = arith.constant 0 : i32
    %dma_wait3A_654 = tpu.memref_slice %arg6[%dma_wait3A_651, %dma_wait3A_652, %dma_wait3A_653] : memref<4x64x128xf32, #tpu.memory_space<vmem>> -> memref<1x8x128xf32, #tpu.memory_space<vmem>>
    %dma_wait3A_655 = tpu.memref_squeeze %dma_wait3A_654 : memref<1x8x128xf32, #tpu.memory_space<vmem>> -> memref<8x128xf32, #tpu.memory_space<vmem>>
    %dma_wait3A_656 = arith.constant 32 : i32
    %dma_wait3A_657 = tpu.memref_slice %arg2[%dma_wait3A_656, %multiple_of3A_139] : memref<64x1000000xf32, #tpu.memory_space<hbm>> -> memref<8x128xf32, #tpu.memory_space<hbm>>
    %dma_wait3A_658 = arith.constant 32 : i32
    %dma_wait3A_659 = arith.constant 0 : i32
    %dma_wait3A_660 = tpu.memref_slice %arg6[%dma_wait3A_651, %dma_wait3A_658, %dma_wait3A_659] : memref<4x64x128xf32, #tpu.memory_space<vmem>> -> memref<1x8x128xf32, #tpu.memory_space<vmem>>
    %dma_wait3A_661 = tpu.memref_squeeze %dma_wait3A_660 : memref<1x8x128xf32, #tpu.memory_space<vmem>> -> memref<8x128xf32, #tpu.memory_space<vmem>>
    %dma_wait3A_662 = arith.constant 32 : i32
    %dma_wait3A_663 = tpu.memref_slice %arg2[%dma_wait3A_662, %multiple_of3A_139] : memref<64x1000000xf32, #tpu.memory_space<hbm>> -> memref<8x128xf32, #tpu.memory_space<hbm>>
    tpu.wait_dma2 semaphore(%arg8 : memref<!tpu.dma_semaphore, #tpu.memory_space<semaphore_mem>>) src(%dma_wait3A_663 : memref<8x128xf32, #tpu.memory_space<hbm>>) dst(%dma_wait3A_661 : memref<8x128xf32, #tpu.memory_space<vmem>>)
    %dma_wait3A_664 = arith.constant 1 : i32
    %dma_wait3A_665 = arith.constant 40 : i32
    %dma_wait3A_666 = arith.constant 0 : i32
    %dma_wait3A_667 = tpu.memref_slice %arg6[%dma_wait3A_664, %dma_wait3A_665, %dma_wait3A_666] : memref<4x64x128xf32, #tpu.memory_space<vmem>> -> memref<1x8x128xf32, #tpu.memory_space<vmem>>
    %dma_wait3A_668 = tpu.memref_squeeze %dma_wait3A_667 : memref<1x8x128xf32, #tpu.memory_space<vmem>> -> memref<8x128xf32, #tpu.memory_space<vmem>>
    %dma_wait3A_669 = arith.constant 40 : i32
    %dma_wait3A_670 = tpu.memref_slice %arg2[%dma_wait3A_669, %multiple_of3A_139] : memref<64x1000000xf32, #tpu.memory_space<hbm>> -> memref<8x128xf32, #tpu.memory_space<hbm>>
    %dma_wait3A_671 = arith.constant 40 : i32
    %dma_wait3A_672 = arith.constant 0 : i32
    %dma_wait3A_673 = tpu.memref_slice %arg6[%dma_wait3A_664, %dma_wait3A_671, %dma_wait3A_672] : memref<4x64x128xf32, #tpu.memory_space<vmem>> -> memref<1x8x128xf32, #tpu.memory_space<vmem>>
    %dma_wait3A_674 = tpu.memref_squeeze %dma_wait3A_673 : memref<1x8x128xf32, #tpu.memory_space<vmem>> -> memref<8x128xf32, #tpu.memory_space<vmem>>
    %dma_wait3A_675 = arith.constant 40 : i32
    %dma_wait3A_676 = tpu.memref_slice %arg2[%dma_wait3A_675, %multiple_of3A_139] : memref<64x1000000xf32, #tpu.memory_space<hbm>> -> memref<8x128xf32, #tpu.memory_space<hbm>>
    tpu.wait_dma2 semaphore(%arg8 : memref<!tpu.dma_semaphore, #tpu.memory_space<semaphore_mem>>) src(%dma_wait3A_676 : memref<8x128xf32, #tpu.memory_space<hbm>>) dst(%dma_wait3A_674 : memref<8x128xf32, #tpu.memory_space<vmem>>)
    %dma_wait3A_677 = arith.constant 1 : i32
    %dma_wait3A_678 = arith.constant 48 : i32
    %dma_wait3A_679 = arith.constant 0 : i32
    %dma_wait3A_680 = tpu.memref_slice %arg6[%dma_wait3A_677, %dma_wait3A_678, %dma_wait3A_679] : memref<4x64x128xf32, #tpu.memory_space<vmem>> -> memref<1x8x128xf32, #tpu.memory_space<vmem>>
    %dma_wait3A_681 = tpu.memref_squeeze %dma_wait3A_680 : memref<1x8x128xf32, #tpu.memory_space<vmem>> -> memref<8x128xf32, #tpu.memory_space<vmem>>
    %dma_wait3A_682 = arith.constant 48 : i32
    %dma_wait3A_683 = tpu.memref_slice %arg2[%dma_wait3A_682, %multiple_of3A_139] : memref<64x1000000xf32, #tpu.memory_space<hbm>> -> memref<8x128xf32, #tpu.memory_space<hbm>>
    %dma_wait3A_684 = arith.constant 48 : i32
    %dma_wait3A_685 = arith.constant 0 : i32
    %dma_wait3A_686 = tpu.memref_slice %arg6[%dma_wait3A_677, %dma_wait3A_684, %dma_wait3A_685] : memref<4x64x128xf32, #tpu.memory_space<vmem>> -> memref<1x8x128xf32, #tpu.memory_space<vmem>>
    %dma_wait3A_687 = tpu.memref_squeeze %dma_wait3A_686 : memref<1x8x128xf32, #tpu.memory_space<vmem>> -> memref<8x128xf32, #tpu.memory_space<vmem>>
    %dma_wait3A_688 = arith.constant 48 : i32
    %dma_wait3A_689 = tpu.memref_slice %arg2[%dma_wait3A_688, %multiple_of3A_139] : memref<64x1000000xf32, #tpu.memory_space<hbm>> -> memref<8x128xf32, #tpu.memory_space<hbm>>
    tpu.wait_dma2 semaphore(%arg8 : memref<!tpu.dma_semaphore, #tpu.memory_space<semaphore_mem>>) src(%dma_wait3A_689 : memref<8x128xf32, #tpu.memory_space<hbm>>) dst(%dma_wait3A_687 : memref<8x128xf32, #tpu.memory_space<vmem>>)
    %dma_wait3A_690 = arith.constant 1 : i32
    %dma_wait3A_691 = arith.constant 56 : i32
    %dma_wait3A_692 = arith.constant 0 : i32
    %dma_wait3A_693 = tpu.memref_slice %arg6[%dma_wait3A_690, %dma_wait3A_691, %dma_wait3A_692] : memref<4x64x128xf32, #tpu.memory_space<vmem>> -> memref<1x8x128xf32, #tpu.memory_space<vmem>>
    %dma_wait3A_694 = tpu.memref_squeeze %dma_wait3A_693 : memref<1x8x128xf32, #tpu.memory_space<vmem>> -> memref<8x128xf32, #tpu.memory_space<vmem>>
    %dma_wait3A_695 = arith.constant 56 : i32
    %dma_wait3A_696 = tpu.memref_slice %arg2[%dma_wait3A_695, %multiple_of3A_139] : memref<64x1000000xf32, #tpu.memory_space<hbm>> -> memref<8x128xf32, #tpu.memory_space<hbm>>
    %dma_wait3A_697 = arith.constant 56 : i32
    %dma_wait3A_698 = arith.constant 0 : i32
    %dma_wait3A_699 = tpu.memref_slice %arg6[%dma_wait3A_690, %dma_wait3A_697, %dma_wait3A_698] : memref<4x64x128xf32, #tpu.memory_space<vmem>> -> memref<1x8x128xf32, #tpu.memory_space<vmem>>
    %dma_wait3A_700 = tpu.memref_squeeze %dma_wait3A_699 : memref<1x8x128xf32, #tpu.memory_space<vmem>> -> memref<8x128xf32, #tpu.memory_space<vmem>>
    %dma_wait3A_701 = arith.constant 56 : i32
    %dma_wait3A_702 = tpu.memref_slice %arg2[%dma_wait3A_701, %multiple_of3A_139] : memref<64x1000000xf32, #tpu.memory_space<hbm>> -> memref<8x128xf32, #tpu.memory_space<hbm>>
    tpu.wait_dma2 semaphore(%arg8 : memref<!tpu.dma_semaphore, #tpu.memory_space<semaphore_mem>>) src(%dma_wait3A_702 : memref<8x128xf32, #tpu.memory_space<hbm>>) dst(%dma_wait3A_700 : memref<8x128xf32, #tpu.memory_space<vmem>>)
    %and3A_703 = arith.constant 127 : i32
    %and3A_704 = arith.andi %select_n3A_15, %and3A_703 : i32
    %broadcast_in_dim3A_705 = vector.broadcast %and3A_704 : i32 to vector<16xi32>
    %broadcast_in_dim3A_706 = arith.constant 1 : i32
    %broadcast_in_dim3A_707 = vector.broadcast %broadcast_in_dim3A_706 : i32 to vector<16xi32>
    %add3A_708 = arith.constant 0 : i32
    %add3A_709 = vector.broadcast %add3A_708 : i32 to vector<16xi32>
    %add3A_710 = arith.addi %iota3A, %add3A_709 : vector<16xi32>
    %gather3A_711 = tpu.vector_load_idx %arg6[%broadcast_in_dim3A_707, %add3A_710, %broadcast_in_dim3A_705] : memref<4x64x128xf32, #tpu.memory_space<vmem>>[vector<16xi32>, vector<16xi32>, vector<16xi32>], vector<16xf32>,
    %swap3A_712 = arith.constant 1 : i32
    %swap3A_713 = arith.index_cast %swap3A_712 : i32 to index
    %swap3A_714 = arith.constant 0 : index
    %swap3A_715 = tpu.vector_load %arg7[%swap3A_713, %swap3A_714] {strides = array<i32>} : memref<4x64xf32, #tpu.memory_space<vmem>>, vector<16xf32>,
    tpu.vector_store %arg7[%swap3A_713, %swap3A_714], %gather3A_711 {strides = array<i32>} : memref<4x64xf32, #tpu.memory_space<vmem>>, vector<16xf32>,
    %add3A_716 = arith.constant 16 : i32
    %add3A_717 = vector.broadcast %add3A_716 : i32 to vector<16xi32>
    %add3A_718 = arith.addi %iota3A, %add3A_717 : vector<16xi32>
    %gather3A_719 = tpu.vector_load_idx %arg6[%broadcast_in_dim3A_707, %add3A_718, %broadcast_in_dim3A_705] : memref<4x64x128xf32, #tpu.memory_space<vmem>>[vector<16xi32>, vector<16xi32>, vector<16xi32>], vector<16xf32>,
    %swap3A_720 = arith.constant 1 : i32
    %swap3A_721 = arith.index_cast %swap3A_720 : i32 to index
    %swap3A_722 = arith.constant 16 : index
    %swap3A_723 = tpu.vector_load %arg7[%swap3A_721, %swap3A_722] {strides = array<i32>} : memref<4x64xf32, #tpu.memory_space<vmem>>, vector<16xf32>,
    tpu.vector_store %arg7[%swap3A_721, %swap3A_722], %gather3A_719 {strides = array<i32>} : memref<4x64xf32, #tpu.memory_space<vmem>>, vector<16xf32>,
    %add3A_724 = arith.constant 32 : i32
    %add3A_725 = vector.broadcast %add3A_724 : i32 to vector<16xi32>
    %add3A_726 = arith.addi %iota3A, %add3A_725 : vector<16xi32>
    %gather3A_727 = tpu.vector_load_idx %arg6[%broadcast_in_dim3A_707, %add3A_726, %broadcast_in_dim3A_705] : memref<4x64x128xf32, #tpu.memory_space<vmem>>[vector<16xi32>, vector<16xi32>, vector<16xi32>], vector<16xf32>,
    %swap3A_728 = arith.constant 1 : i32
    %swap3A_729 = arith.index_cast %swap3A_728 : i32 to index
    %swap3A_730 = arith.constant 32 : index
    %swap3A_731 = tpu.vector_load %arg7[%swap3A_729, %swap3A_730] {strides = array<i32>} : memref<4x64xf32, #tpu.memory_space<vmem>>, vector<16xf32>,
    tpu.vector_store %arg7[%swap3A_729, %swap3A_730], %gather3A_727 {strides = array<i32>} : memref<4x64xf32, #tpu.memory_space<vmem>>, vector<16xf32>,
    %add3A_732 = arith.constant 48 : i32
    %add3A_733 = vector.broadcast %add3A_732 : i32 to vector<16xi32>
    %add3A_734 = arith.addi %iota3A, %add3A_733 : vector<16xi32>
    %gather3A_735 = tpu.vector_load_idx %arg6[%broadcast_in_dim3A_707, %add3A_734, %broadcast_in_dim3A_705] : memref<4x64x128xf32, #tpu.memory_space<vmem>>[vector<16xi32>, vector<16xi32>, vector<16xi32>], vector<16xf32>,
    %swap3A_736 = arith.constant 1 : i32
    %swap3A_737 = arith.index_cast %swap3A_736 : i32 to index
    %swap3A_738 = arith.constant 48 : index
    %swap3A_739 = tpu.vector_load %arg7[%swap3A_737, %swap3A_738] {strides = array<i32>} : memref<4x64xf32, #tpu.memory_space<vmem>>, vector<16xf32>,
    tpu.vector_store %arg7[%swap3A_737, %swap3A_738], %gather3A_735 {strides = array<i32>} : memref<4x64xf32, #tpu.memory_space<vmem>>, vector<16xf32>,
    %dma_wait3A_740 = arith.constant 2 : i32
    %dma_wait3A_741 = arith.constant 0 : i32
    %dma_wait3A_742 = arith.constant 0 : i32
    %dma_wait3A_743 = tpu.memref_slice %arg6[%dma_wait3A_740, %dma_wait3A_741, %dma_wait3A_742] : memref<4x64x128xf32, #tpu.memory_space<vmem>> -> memref<1x8x128xf32, #tpu.memory_space<vmem>>
    %dma_wait3A_744 = tpu.memref_squeeze %dma_wait3A_743 : memref<1x8x128xf32, #tpu.memory_space<vmem>> -> memref<8x128xf32, #tpu.memory_space<vmem>>
    %dma_wait3A_745 = arith.constant 0 : i32
    %dma_wait3A_746 = tpu.memref_slice %arg2[%dma_wait3A_745, %multiple_of3A_248] : memref<64x1000000xf32, #tpu.memory_space<hbm>> -> memref<8x128xf32, #tpu.memory_space<hbm>>
    %dma_wait3A_747 = arith.constant 0 : i32
    %dma_wait3A_748 = arith.constant 0 : i32
    %dma_wait3A_749 = tpu.memref_slice %arg6[%dma_wait3A_740, %dma_wait3A_747, %dma_wait3A_748] : memref<4x64x128xf32, #tpu.memory_space<vmem>> -> memref<1x8x128xf32, #tpu.memory_space<vmem>>
    %dma_wait3A_750 = tpu.memref_squeeze %dma_wait3A_749 : memref<1x8x128xf32, #tpu.memory_space<vmem>> -> memref<8x128xf32, #tpu.memory_space<vmem>>
    %dma_wait3A_751 = arith.constant 0 : i32
    %dma_wait3A_752 = tpu.memref_slice %arg2[%dma_wait3A_751, %multiple_of3A_248] : memref<64x1000000xf32, #tpu.memory_space<hbm>> -> memref<8x128xf32, #tpu.memory_space<hbm>>
    tpu.wait_dma2 semaphore(%arg8 : memref<!tpu.dma_semaphore, #tpu.memory_space<semaphore_mem>>) src(%dma_wait3A_752 : memref<8x128xf32, #tpu.memory_space<hbm>>) dst(%dma_wait3A_750 : memref<8x128xf32, #tpu.memory_space<vmem>>)
    %dma_wait3A_753 = arith.constant 2 : i32
    %dma_wait3A_754 = arith.constant 8 : i32
    %dma_wait3A_755 = arith.constant 0 : i32
    %dma_wait3A_756 = tpu.memref_slice %arg6[%dma_wait3A_753, %dma_wait3A_754, %dma_wait3A_755] : memref<4x64x128xf32, #tpu.memory_space<vmem>> -> memref<1x8x128xf32, #tpu.memory_space<vmem>>
    %dma_wait3A_757 = tpu.memref_squeeze %dma_wait3A_756 : memref<1x8x128xf32, #tpu.memory_space<vmem>> -> memref<8x128xf32, #tpu.memory_space<vmem>>
    %dma_wait3A_758 = arith.constant 8 : i32
    %dma_wait3A_759 = tpu.memref_slice %arg2[%dma_wait3A_758, %multiple_of3A_248] : memref<64x1000000xf32, #tpu.memory_space<hbm>> -> memref<8x128xf32, #tpu.memory_space<hbm>>
    %dma_wait3A_760 = arith.constant 8 : i32
    %dma_wait3A_761 = arith.constant 0 : i32
    %dma_wait3A_762 = tpu.memref_slice %arg6[%dma_wait3A_753, %dma_wait3A_760, %dma_wait3A_761] : memref<4x64x128xf32, #tpu.memory_space<vmem>> -> memref<1x8x128xf32, #tpu.memory_space<vmem>>
    %dma_wait3A_763 = tpu.memref_squeeze %dma_wait3A_762 : memref<1x8x128xf32, #tpu.memory_space<vmem>> -> memref<8x128xf32, #tpu.memory_space<vmem>>
    %dma_wait3A_764 = arith.constant 8 : i32
    %dma_wait3A_765 = tpu.memref_slice %arg2[%dma_wait3A_764, %multiple_of3A_248] : memref<64x1000000xf32, #tpu.memory_space<hbm>> -> memref<8x128xf32, #tpu.memory_space<hbm>>
    tpu.wait_dma2 semaphore(%arg8 : memref<!tpu.dma_semaphore, #tpu.memory_space<semaphore_mem>>) src(%dma_wait3A_765 : memref<8x128xf32, #tpu.memory_space<hbm>>) dst(%dma_wait3A_763 : memref<8x128xf32, #tpu.memory_space<vmem>>)
    %dma_wait3A_766 = arith.constant 2 : i32
    %dma_wait3A_767 = arith.constant 16 : i32
    %dma_wait3A_768 = arith.constant 0 : i32
    %dma_wait3A_769 = tpu.memref_slice %arg6[%dma_wait3A_766, %dma_wait3A_767, %dma_wait3A_768] : memref<4x64x128xf32, #tpu.memory_space<vmem>> -> memref<1x8x128xf32, #tpu.memory_space<vmem>>
    %dma_wait3A_770 = tpu.memref_squeeze %dma_wait3A_769 : memref<1x8x128xf32, #tpu.memory_space<vmem>> -> memref<8x128xf32, #tpu.memory_space<vmem>>
    %dma_wait3A_771 = arith.constant 16 : i32
    %dma_wait3A_772 = tpu.memref_slice %arg2[%dma_wait3A_771, %multiple_of3A_248] : memref<64x1000000xf32, #tpu.memory_space<hbm>> -> memref<8x128xf32, #tpu.memory_space<hbm>>
    %dma_wait3A_773 = arith.constant 16 : i32
    %dma_wait3A_774 = arith.constant 0 : i32
    %dma_wait3A_775 = tpu.memref_slice %arg6[%dma_wait3A_766, %dma_wait3A_773, %dma_wait3A_774] : memref<4x64x128xf32, #tpu.memory_space<vmem>> -> memref<1x8x128xf32, #tpu.memory_space<vmem>>
    %dma_wait3A_776 = tpu.memref_squeeze %dma_wait3A_775 : memref<1x8x128xf32, #tpu.memory_space<vmem>> -> memref<8x128xf32, #tpu.memory_space<vmem>>
    %dma_wait3A_777 = arith.constant 16 : i32
    %dma_wait3A_778 = tpu.memref_slice %arg2[%dma_wait3A_777, %multiple_of3A_248] : memref<64x1000000xf32, #tpu.memory_space<hbm>> -> memref<8x128xf32, #tpu.memory_space<hbm>>
    tpu.wait_dma2 semaphore(%arg8 : memref<!tpu.dma_semaphore, #tpu.memory_space<semaphore_mem>>) src(%dma_wait3A_778 : memref<8x128xf32, #tpu.memory_space<hbm>>) dst(%dma_wait3A_776 : memref<8x128xf32, #tpu.memory_space<vmem>>)
    %dma_wait3A_779 = arith.constant 2 : i32
    %dma_wait3A_780 = arith.constant 24 : i32
    %dma_wait3A_781 = arith.constant 0 : i32
    %dma_wait3A_782 = tpu.memref_slice %arg6[%dma_wait3A_779, %dma_wait3A_780, %dma_wait3A_781] : memref<4x64x128xf32, #tpu.memory_space<vmem>> -> memref<1x8x128xf32, #tpu.memory_space<vmem>>
    %dma_wait3A_783 = tpu.memref_squeeze %dma_wait3A_782 : memref<1x8x128xf32, #tpu.memory_space<vmem>> -> memref<8x128xf32, #tpu.memory_space<vmem>>
    %dma_wait3A_784 = arith.constant 24 : i32
    %dma_wait3A_785 = tpu.memref_slice %arg2[%dma_wait3A_784, %multiple_of3A_248] : memref<64x1000000xf32, #tpu.memory_space<hbm>> -> memref<8x128xf32, #tpu.memory_space<hbm>>
    %dma_wait3A_786 = arith.constant 24 : i32
    %dma_wait3A_787 = arith.constant 0 : i32
    %dma_wait3A_788 = tpu.memref_slice %arg6[%dma_wait3A_779, %dma_wait3A_786, %dma_wait3A_787] : memref<4x64x128xf32, #tpu.memory_space<vmem>> -> memref<1x8x128xf32, #tpu.memory_space<vmem>>
    %dma_wait3A_789 = tpu.memref_squeeze %dma_wait3A_788 : memref<1x8x128xf32, #tpu.memory_space<vmem>> -> memref<8x128xf32, #tpu.memory_space<vmem>>
    %dma_wait3A_790 = arith.constant 24 : i32
    %dma_wait3A_791 = tpu.memref_slice %arg2[%dma_wait3A_790, %multiple_of3A_248] : memref<64x1000000xf32, #tpu.memory_space<hbm>> -> memref<8x128xf32, #tpu.memory_space<hbm>>
    tpu.wait_dma2 semaphore(%arg8 : memref<!tpu.dma_semaphore, #tpu.memory_space<semaphore_mem>>) src(%dma_wait3A_791 : memref<8x128xf32, #tpu.memory_space<hbm>>) dst(%dma_wait3A_789 : memref<8x128xf32, #tpu.memory_space<vmem>>)
    %dma_wait3A_792 = arith.constant 2 : i32
    %dma_wait3A_793 = arith.constant 32 : i32
    %dma_wait3A_794 = arith.constant 0 : i32
    %dma_wait3A_795 = tpu.memref_slice %arg6[%dma_wait3A_792, %dma_wait3A_793, %dma_wait3A_794] : memref<4x64x128xf32, #tpu.memory_space<vmem>> -> memref<1x8x128xf32, #tpu.memory_space<vmem>>
    %dma_wait3A_796 = tpu.memref_squeeze %dma_wait3A_795 : memref<1x8x128xf32, #tpu.memory_space<vmem>> -> memref<8x128xf32, #tpu.memory_space<vmem>>
    %dma_wait3A_797 = arith.constant 32 : i32
    %dma_wait3A_798 = tpu.memref_slice %arg2[%dma_wait3A_797, %multiple_of3A_248] : memref<64x1000000xf32, #tpu.memory_space<hbm>> -> memref<8x128xf32, #tpu.memory_space<hbm>>
    %dma_wait3A_799 = arith.constant 32 : i32
    %dma_wait3A_800 = arith.constant 0 : i32
    %dma_wait3A_801 = tpu.memref_slice %arg6[%dma_wait3A_792, %dma_wait3A_799, %dma_wait3A_800] : memref<4x64x128xf32, #tpu.memory_space<vmem>> -> memref<1x8x128xf32, #tpu.memory_space<vmem>>
    %dma_wait3A_802 = tpu.memref_squeeze %dma_wait3A_801 : memref<1x8x128xf32, #tpu.memory_space<vmem>> -> memref<8x128xf32, #tpu.memory_space<vmem>>
    %dma_wait3A_803 = arith.constant 32 : i32
    %dma_wait3A_804 = tpu.memref_slice %arg2[%dma_wait3A_803, %multiple_of3A_248] : memref<64x1000000xf32, #tpu.memory_space<hbm>> -> memref<8x128xf32, #tpu.memory_space<hbm>>
    tpu.wait_dma2 semaphore(%arg8 : memref<!tpu.dma_semaphore, #tpu.memory_space<semaphore_mem>>) src(%dma_wait3A_804 : memref<8x128xf32, #tpu.memory_space<hbm>>) dst(%dma_wait3A_802 : memref<8x128xf32, #tpu.memory_space<vmem>>)
    %dma_wait3A_805 = arith.constant 2 : i32
    %dma_wait3A_806 = arith.constant 40 : i32
    %dma_wait3A_807 = arith.constant 0 : i32
    %dma_wait3A_808 = tpu.memref_slice %arg6[%dma_wait3A_805, %dma_wait3A_806, %dma_wait3A_807] : memref<4x64x128xf32, #tpu.memory_space<vmem>> -> memref<1x8x128xf32, #tpu.memory_space<vmem>>
    %dma_wait3A_809 = tpu.memref_squeeze %dma_wait3A_808 : memref<1x8x128xf32, #tpu.memory_space<vmem>> -> memref<8x128xf32, #tpu.memory_space<vmem>>
    %dma_wait3A_810 = arith.constant 40 : i32
    %dma_wait3A_811 = tpu.memref_slice %arg2[%dma_wait3A_810, %multiple_of3A_248] : memref<64x1000000xf32, #tpu.memory_space<hbm>> -> memref<8x128xf32, #tpu.memory_space<hbm>>
    %dma_wait3A_812 = arith.constant 40 : i32
    %dma_wait3A_813 = arith.constant 0 : i32
    %dma_wait3A_814 = tpu.memref_slice %arg6[%dma_wait3A_805, %dma_wait3A_812, %dma_wait3A_813] : memref<4x64x128xf32, #tpu.memory_space<vmem>> -> memref<1x8x128xf32, #tpu.memory_space<vmem>>
    %dma_wait3A_815 = tpu.memref_squeeze %dma_wait3A_814 : memref<1x8x128xf32, #tpu.memory_space<vmem>> -> memref<8x128xf32, #tpu.memory_space<vmem>>
    %dma_wait3A_816 = arith.constant 40 : i32
    %dma_wait3A_817 = tpu.memref_slice %arg2[%dma_wait3A_816, %multiple_of3A_248] : memref<64x1000000xf32, #tpu.memory_space<hbm>> -> memref<8x128xf32, #tpu.memory_space<hbm>>
    tpu.wait_dma2 semaphore(%arg8 : memref<!tpu.dma_semaphore, #tpu.memory_space<semaphore_mem>>) src(%dma_wait3A_817 : memref<8x128xf32, #tpu.memory_space<hbm>>) dst(%dma_wait3A_815 : memref<8x128xf32, #tpu.memory_space<vmem>>)
    %dma_wait3A_818 = arith.constant 2 : i32
    %dma_wait3A_819 = arith.constant 48 : i32
    %dma_wait3A_820 = arith.constant 0 : i32
    %dma_wait3A_821 = tpu.memref_slice %arg6[%dma_wait3A_818, %dma_wait3A_819, %dma_wait3A_820] : memref<4x64x128xf32, #tpu.memory_space<vmem>> -> memref<1x8x128xf32, #tpu.memory_space<vmem>>
    %dma_wait3A_822 = tpu.memref_squeeze %dma_wait3A_821 : memref<1x8x128xf32, #tpu.memory_space<vmem>> -> memref<8x128xf32, #tpu.memory_space<vmem>>
    %dma_wait3A_823 = arith.constant 48 : i32
    %dma_wait3A_824 = tpu.memref_slice %arg2[%dma_wait3A_823, %multiple_of3A_248] : memref<64x1000000xf32, #tpu.memory_space<hbm>> -> memref<8x128xf32, #tpu.memory_space<hbm>>
    %dma_wait3A_825 = arith.constant 48 : i32
    %dma_wait3A_826 = arith.constant 0 : i32
    %dma_wait3A_827 = tpu.memref_slice %arg6[%dma_wait3A_818, %dma_wait3A_825, %dma_wait3A_826] : memref<4x64x128xf32, #tpu.memory_space<vmem>> -> memref<1x8x128xf32, #tpu.memory_space<vmem>>
    %dma_wait3A_828 = tpu.memref_squeeze %dma_wait3A_827 : memref<1x8x128xf32, #tpu.memory_space<vmem>> -> memref<8x128xf32, #tpu.memory_space<vmem>>
    %dma_wait3A_829 = arith.constant 48 : i32
    %dma_wait3A_830 = tpu.memref_slice %arg2[%dma_wait3A_829, %multiple_of3A_248] : memref<64x1000000xf32, #tpu.memory_space<hbm>> -> memref<8x128xf32, #tpu.memory_space<hbm>>
    tpu.wait_dma2 semaphore(%arg8 : memref<!tpu.dma_semaphore, #tpu.memory_space<semaphore_mem>>) src(%dma_wait3A_830 : memref<8x128xf32, #tpu.memory_space<hbm>>) dst(%dma_wait3A_828 : memref<8x128xf32, #tpu.memory_space<vmem>>)
    %dma_wait3A_831 = arith.constant 2 : i32
    %dma_wait3A_832 = arith.constant 56 : i32
    %dma_wait3A_833 = arith.constant 0 : i32
    %dma_wait3A_834 = tpu.memref_slice %arg6[%dma_wait3A_831, %dma_wait3A_832, %dma_wait3A_833] : memref<4x64x128xf32, #tpu.memory_space<vmem>> -> memref<1x8x128xf32, #tpu.memory_space<vmem>>
    %dma_wait3A_835 = tpu.memref_squeeze %dma_wait3A_834 : memref<1x8x128xf32, #tpu.memory_space<vmem>> -> memref<8x128xf32, #tpu.memory_space<vmem>>
    %dma_wait3A_836 = arith.constant 56 : i32
    %dma_wait3A_837 = tpu.memref_slice %arg2[%dma_wait3A_836, %multiple_of3A_248] : memref<64x1000000xf32, #tpu.memory_space<hbm>> -> memref<8x128xf32, #tpu.memory_space<hbm>>
    %dma_wait3A_838 = arith.constant 56 : i32
    %dma_wait3A_839 = arith.constant 0 : i32
    %dma_wait3A_840 = tpu.memref_slice %arg6[%dma_wait3A_831, %dma_wait3A_838, %dma_wait3A_839] : memref<4x64x128xf32, #tpu.memory_space<vmem>> -> memref<1x8x128xf32, #tpu.memory_space<vmem>>
    %dma_wait3A_841 = tpu.memref_squeeze %dma_wait3A_840 : memref<1x8x128xf32, #tpu.memory_space<vmem>> -> memref<8x128xf32, #tpu.memory_space<vmem>>
    %dma_wait3A_842 = arith.constant 56 : i32
    %dma_wait3A_843 = tpu.memref_slice %arg2[%dma_wait3A_842, %multiple_of3A_248] : memref<64x1000000xf32, #tpu.memory_space<hbm>> -> memref<8x128xf32, #tpu.memory_space<hbm>>
    tpu.wait_dma2 semaphore(%arg8 : memref<!tpu.dma_semaphore, #tpu.memory_space<semaphore_mem>>) src(%dma_wait3A_843 : memref<8x128xf32, #tpu.memory_space<hbm>>) dst(%dma_wait3A_841 : memref<8x128xf32, #tpu.memory_space<vmem>>)
    %and3A_844 = arith.constant 127 : i32
    %and3A_845 = arith.andi %select_n3A_22, %and3A_844 : i32
    %broadcast_in_dim3A_846 = vector.broadcast %and3A_845 : i32 to vector<16xi32>
    %broadcast_in_dim3A_847 = arith.constant 2 : i32
    %broadcast_in_dim3A_848 = vector.broadcast %broadcast_in_dim3A_847 : i32 to vector<16xi32>
    %add3A_849 = arith.constant 0 : i32
    %add3A_850 = vector.broadcast %add3A_849 : i32 to vector<16xi32>
    %add3A_851 = arith.addi %iota3A, %add3A_850 : vector<16xi32>
    %gather3A_852 = tpu.vector_load_idx %arg6[%broadcast_in_dim3A_848, %add3A_851, %broadcast_in_dim3A_846] : memref<4x64x128xf32, #tpu.memory_space<vmem>>[vector<16xi32>, vector<16xi32>, vector<16xi32>], vector<16xf32>,
    %swap3A_853 = arith.constant 2 : i32
    %swap3A_854 = arith.index_cast %swap3A_853 : i32 to index
    %swap3A_855 = arith.constant 0 : index
    %swap3A_856 = tpu.vector_load %arg7[%swap3A_854, %swap3A_855] {strides = array<i32>} : memref<4x64xf32, #tpu.memory_space<vmem>>, vector<16xf32>,
    tpu.vector_store %arg7[%swap3A_854, %swap3A_855], %gather3A_852 {strides = array<i32>} : memref<4x64xf32, #tpu.memory_space<vmem>>, vector<16xf32>,
    %add3A_857 = arith.constant 16 : i32
    %add3A_858 = vector.broadcast %add3A_857 : i32 to vector<16xi32>
    %add3A_859 = arith.addi %iota3A, %add3A_858 : vector<16xi32>
    %gather3A_860 = tpu.vector_load_idx %arg6[%broadcast_in_dim3A_848, %add3A_859, %broadcast_in_dim3A_846] : memref<4x64x128xf32, #tpu.memory_space<vmem>>[vector<16xi32>, vector<16xi32>, vector<16xi32>], vector<16xf32>,
    %swap3A_861 = arith.constant 2 : i32
    %swap3A_862 = arith.index_cast %swap3A_861 : i32 to index
    %swap3A_863 = arith.constant 16 : index
    %swap3A_864 = tpu.vector_load %arg7[%swap3A_862, %swap3A_863] {strides = array<i32>} : memref<4x64xf32, #tpu.memory_space<vmem>>, vector<16xf32>,
    tpu.vector_store %arg7[%swap3A_862, %swap3A_863], %gather3A_860 {strides = array<i32>} : memref<4x64xf32, #tpu.memory_space<vmem>>, vector<16xf32>,
    %add3A_865 = arith.constant 32 : i32
    %add3A_866 = vector.broadcast %add3A_865 : i32 to vector<16xi32>
    %add3A_867 = arith.addi %iota3A, %add3A_866 : vector<16xi32>
    %gather3A_868 = tpu.vector_load_idx %arg6[%broadcast_in_dim3A_848, %add3A_867, %broadcast_in_dim3A_846] : memref<4x64x128xf32, #tpu.memory_space<vmem>>[vector<16xi32>, vector<16xi32>, vector<16xi32>], vector<16xf32>,
    %swap3A_869 = arith.constant 2 : i32
    %swap3A_870 = arith.index_cast %swap3A_869 : i32 to index
    %swap3A_871 = arith.constant 32 : index
    %swap3A_872 = tpu.vector_load %arg7[%swap3A_870, %swap3A_871] {strides = array<i32>} : memref<4x64xf32, #tpu.memory_space<vmem>>, vector<16xf32>,
    tpu.vector_store %arg7[%swap3A_870, %swap3A_871], %gather3A_868 {strides = array<i32>} : memref<4x64xf32, #tpu.memory_space<vmem>>, vector<16xf32>,
    %add3A_873 = arith.constant 48 : i32
    %add3A_874 = vector.broadcast %add3A_873 : i32 to vector<16xi32>
    %add3A_875 = arith.addi %iota3A, %add3A_874 : vector<16xi32>
    %gather3A_876 = tpu.vector_load_idx %arg6[%broadcast_in_dim3A_848, %add3A_875, %broadcast_in_dim3A_846] : memref<4x64x128xf32, #tpu.memory_space<vmem>>[vector<16xi32>, vector<16xi32>, vector<16xi32>], vector<16xf32>,
    %swap3A_877 = arith.constant 2 : i32
    %swap3A_878 = arith.index_cast %swap3A_877 : i32 to index
    %swap3A_879 = arith.constant 48 : index
    %swap3A_880 = tpu.vector_load %arg7[%swap3A_878, %swap3A_879] {strides = array<i32>} : memref<4x64xf32, #tpu.memory_space<vmem>>, vector<16xf32>,
    tpu.vector_store %arg7[%swap3A_878, %swap3A_879], %gather3A_876 {strides = array<i32>} : memref<4x64xf32, #tpu.memory_space<vmem>>, vector<16xf32>,
    %dma_wait3A_881 = arith.constant 3 : i32
    %dma_wait3A_882 = arith.constant 0 : i32
    %dma_wait3A_883 = arith.constant 0 : i32
    %dma_wait3A_884 = tpu.memref_slice %arg6[%dma_wait3A_881, %dma_wait3A_882, %dma_wait3A_883] : memref<4x64x128xf32, #tpu.memory_space<vmem>> -> memref<1x8x128xf32, #tpu.memory_space<vmem>>
    %dma_wait3A_885 = tpu.memref_squeeze %dma_wait3A_884 : memref<1x8x128xf32, #tpu.memory_space<vmem>> -> memref<8x128xf32, #tpu.memory_space<vmem>>
    %dma_wait3A_886 = arith.constant 0 : i32
    %dma_wait3A_887 = tpu.memref_slice %arg2[%dma_wait3A_886, %multiple_of3A_357] : memref<64x1000000xf32, #tpu.memory_space<hbm>> -> memref<8x128xf32, #tpu.memory_space<hbm>>
    %dma_wait3A_888 = arith.constant 0 : i32
    %dma_wait3A_889 = arith.constant 0 : i32
    %dma_wait3A_890 = tpu.memref_slice %arg6[%dma_wait3A_881, %dma_wait3A_888, %dma_wait3A_889] : memref<4x64x128xf32, #tpu.memory_space<vmem>> -> memref<1x8x128xf32, #tpu.memory_space<vmem>>
    %dma_wait3A_891 = tpu.memref_squeeze %dma_wait3A_890 : memref<1x8x128xf32, #tpu.memory_space<vmem>> -> memref<8x128xf32, #tpu.memory_space<vmem>>
    %dma_wait3A_892 = arith.constant 0 : i32
    %dma_wait3A_893 = tpu.memref_slice %arg2[%dma_wait3A_892, %multiple_of3A_357] : memref<64x1000000xf32, #tpu.memory_space<hbm>> -> memref<8x128xf32, #tpu.memory_space<hbm>>
    tpu.wait_dma2 semaphore(%arg8 : memref<!tpu.dma_semaphore, #tpu.memory_space<semaphore_mem>>) src(%dma_wait3A_893 : memref<8x128xf32, #tpu.memory_space<hbm>>) dst(%dma_wait3A_891 : memref<8x128xf32, #tpu.memory_space<vmem>>)
    %dma_wait3A_894 = arith.constant 3 : i32
    %dma_wait3A_895 = arith.constant 8 : i32
    %dma_wait3A_896 = arith.constant 0 : i32
    %dma_wait3A_897 = tpu.memref_slice %arg6[%dma_wait3A_894, %dma_wait3A_895, %dma_wait3A_896] : memref<4x64x128xf32, #tpu.memory_space<vmem>> -> memref<1x8x128xf32, #tpu.memory_space<vmem>>
    %dma_wait3A_898 = tpu.memref_squeeze %dma_wait3A_897 : memref<1x8x128xf32, #tpu.memory_space<vmem>> -> memref<8x128xf32, #tpu.memory_space<vmem>>
    %dma_wait3A_899 = arith.constant 8 : i32
    %dma_wait3A_900 = tpu.memref_slice %arg2[%dma_wait3A_899, %multiple_of3A_357] : memref<64x1000000xf32, #tpu.memory_space<hbm>> -> memref<8x128xf32, #tpu.memory_space<hbm>>
    %dma_wait3A_901 = arith.constant 8 : i32
    %dma_wait3A_902 = arith.constant 0 : i32
    %dma_wait3A_903 = tpu.memref_slice %arg6[%dma_wait3A_894, %dma_wait3A_901, %dma_wait3A_902] : memref<4x64x128xf32, #tpu.memory_space<vmem>> -> memref<1x8x128xf32, #tpu.memory_space<vmem>>
    %dma_wait3A_904 = tpu.memref_squeeze %dma_wait3A_903 : memref<1x8x128xf32, #tpu.memory_space<vmem>> -> memref<8x128xf32, #tpu.memory_space<vmem>>
    %dma_wait3A_905 = arith.constant 8 : i32
    %dma_wait3A_906 = tpu.memref_slice %arg2[%dma_wait3A_905, %multiple_of3A_357] : memref<64x1000000xf32, #tpu.memory_space<hbm>> -> memref<8x128xf32, #tpu.memory_space<hbm>>
    tpu.wait_dma2 semaphore(%arg8 : memref<!tpu.dma_semaphore, #tpu.memory_space<semaphore_mem>>) src(%dma_wait3A_906 : memref<8x128xf32, #tpu.memory_space<hbm>>) dst(%dma_wait3A_904 : memref<8x128xf32, #tpu.memory_space<vmem>>)
    %dma_wait3A_907 = arith.constant 3 : i32
    %dma_wait3A_908 = arith.constant 16 : i32
    %dma_wait3A_909 = arith.constant 0 : i32
    %dma_wait3A_910 = tpu.memref_slice %arg6[%dma_wait3A_907, %dma_wait3A_908, %dma_wait3A_909] : memref<4x64x128xf32, #tpu.memory_space<vmem>> -> memref<1x8x128xf32, #tpu.memory_space<vmem>>
    %dma_wait3A_911 = tpu.memref_squeeze %dma_wait3A_910 : memref<1x8x128xf32, #tpu.memory_space<vmem>> -> memref<8x128xf32, #tpu.memory_space<vmem>>
    %dma_wait3A_912 = arith.constant 16 : i32
    %dma_wait3A_913 = tpu.memref_slice %arg2[%dma_wait3A_912, %multiple_of3A_357] : memref<64x1000000xf32, #tpu.memory_space<hbm>> -> memref<8x128xf32, #tpu.memory_space<hbm>>
    %dma_wait3A_914 = arith.constant 16 : i32
    %dma_wait3A_915 = arith.constant 0 : i32
    %dma_wait3A_916 = tpu.memref_slice %arg6[%dma_wait3A_907, %dma_wait3A_914, %dma_wait3A_915] : memref<4x64x128xf32, #tpu.memory_space<vmem>> -> memref<1x8x128xf32, #tpu.memory_space<vmem>>
    %dma_wait3A_917 = tpu.memref_squeeze %dma_wait3A_916 : memref<1x8x128xf32, #tpu.memory_space<vmem>> -> memref<8x128xf32, #tpu.memory_space<vmem>>
    %dma_wait3A_918 = arith.constant 16 : i32
    %dma_wait3A_919 = tpu.memref_slice %arg2[%dma_wait3A_918, %multiple_of3A_357] : memref<64x1000000xf32, #tpu.memory_space<hbm>> -> memref<8x128xf32, #tpu.memory_space<hbm>>
    tpu.wait_dma2 semaphore(%arg8 : memref<!tpu.dma_semaphore, #tpu.memory_space<semaphore_mem>>) src(%dma_wait3A_919 : memref<8x128xf32, #tpu.memory_space<hbm>>) dst(%dma_wait3A_917 : memref<8x128xf32, #tpu.memory_space<vmem>>)
    %dma_wait3A_920 = arith.constant 3 : i32
    %dma_wait3A_921 = arith.constant 24 : i32
    %dma_wait3A_922 = arith.constant 0 : i32
    %dma_wait3A_923 = tpu.memref_slice %arg6[%dma_wait3A_920, %dma_wait3A_921, %dma_wait3A_922] : memref<4x64x128xf32, #tpu.memory_space<vmem>> -> memref<1x8x128xf32, #tpu.memory_space<vmem>>
    %dma_wait3A_924 = tpu.memref_squeeze %dma_wait3A_923 : memref<1x8x128xf32, #tpu.memory_space<vmem>> -> memref<8x128xf32, #tpu.memory_space<vmem>>
    %dma_wait3A_925 = arith.constant 24 : i32
    %dma_wait3A_926 = tpu.memref_slice %arg2[%dma_wait3A_925, %multiple_of3A_357] : memref<64x1000000xf32, #tpu.memory_space<hbm>> -> memref<8x128xf32, #tpu.memory_space<hbm>>
    %dma_wait3A_927 = arith.constant 24 : i32
    %dma_wait3A_928 = arith.constant 0 : i32
    %dma_wait3A_929 = tpu.memref_slice %arg6[%dma_wait3A_920, %dma_wait3A_927, %dma_wait3A_928] : memref<4x64x128xf32, #tpu.memory_space<vmem>> -> memref<1x8x128xf32, #tpu.memory_space<vmem>>
    %dma_wait3A_930 = tpu.memref_squeeze %dma_wait3A_929 : memref<1x8x128xf32, #tpu.memory_space<vmem>> -> memref<8x128xf32, #tpu.memory_space<vmem>>
    %dma_wait3A_931 = arith.constant 24 : i32
    %dma_wait3A_932 = tpu.memref_slice %arg2[%dma_wait3A_931, %multiple_of3A_357] : memref<64x1000000xf32, #tpu.memory_space<hbm>> -> memref<8x128xf32, #tpu.memory_space<hbm>>
    tpu.wait_dma2 semaphore(%arg8 : memref<!tpu.dma_semaphore, #tpu.memory_space<semaphore_mem>>) src(%dma_wait3A_932 : memref<8x128xf32, #tpu.memory_space<hbm>>) dst(%dma_wait3A_930 : memref<8x128xf32, #tpu.memory_space<vmem>>)
    %dma_wait3A_933 = arith.constant 3 : i32
    %dma_wait3A_934 = arith.constant 32 : i32
    %dma_wait3A_935 = arith.constant 0 : i32
    %dma_wait3A_936 = tpu.memref_slice %arg6[%dma_wait3A_933, %dma_wait3A_934, %dma_wait3A_935] : memref<4x64x128xf32, #tpu.memory_space<vmem>> -> memref<1x8x128xf32, #tpu.memory_space<vmem>>
    %dma_wait3A_937 = tpu.memref_squeeze %dma_wait3A_936 : memref<1x8x128xf32, #tpu.memory_space<vmem>> -> memref<8x128xf32, #tpu.memory_space<vmem>>
    %dma_wait3A_938 = arith.constant 32 : i32
    %dma_wait3A_939 = tpu.memref_slice %arg2[%dma_wait3A_938, %multiple_of3A_357] : memref<64x1000000xf32, #tpu.memory_space<hbm>> -> memref<8x128xf32, #tpu.memory_space<hbm>>
    %dma_wait3A_940 = arith.constant 32 : i32
    %dma_wait3A_941 = arith.constant 0 : i32
    %dma_wait3A_942 = tpu.memref_slice %arg6[%dma_wait3A_933, %dma_wait3A_940, %dma_wait3A_941] : memref<4x64x128xf32, #tpu.memory_space<vmem>> -> memref<1x8x128xf32, #tpu.memory_space<vmem>>
    %dma_wait3A_943 = tpu.memref_squeeze %dma_wait3A_942 : memref<1x8x128xf32, #tpu.memory_space<vmem>> -> memref<8x128xf32, #tpu.memory_space<vmem>>
    %dma_wait3A_944 = arith.constant 32 : i32
    %dma_wait3A_945 = tpu.memref_slice %arg2[%dma_wait3A_944, %multiple_of3A_357] : memref<64x1000000xf32, #tpu.memory_space<hbm>> -> memref<8x128xf32, #tpu.memory_space<hbm>>
    tpu.wait_dma2 semaphore(%arg8 : memref<!tpu.dma_semaphore, #tpu.memory_space<semaphore_mem>>) src(%dma_wait3A_945 : memref<8x128xf32, #tpu.memory_space<hbm>>) dst(%dma_wait3A_943 : memref<8x128xf32, #tpu.memory_space<vmem>>)
    %dma_wait3A_946 = arith.constant 3 : i32
    %dma_wait3A_947 = arith.constant 40 : i32
    %dma_wait3A_948 = arith.constant 0 : i32
    %dma_wait3A_949 = tpu.memref_slice %arg6[%dma_wait3A_946, %dma_wait3A_947, %dma_wait3A_948] : memref<4x64x128xf32, #tpu.memory_space<vmem>> -> memref<1x8x128xf32, #tpu.memory_space<vmem>>
    %dma_wait3A_950 = tpu.memref_squeeze %dma_wait3A_949 : memref<1x8x128xf32, #tpu.memory_space<vmem>> -> memref<8x128xf32, #tpu.memory_space<vmem>>
    %dma_wait3A_951 = arith.constant 40 : i32
    %dma_wait3A_952 = tpu.memref_slice %arg2[%dma_wait3A_951, %multiple_of3A_357] : memref<64x1000000xf32, #tpu.memory_space<hbm>> -> memref<8x128xf32, #tpu.memory_space<hbm>>
    %dma_wait3A_953 = arith.constant 40 : i32
    %dma_wait3A_954 = arith.constant 0 : i32
    %dma_wait3A_955 = tpu.memref_slice %arg6[%dma_wait3A_946, %dma_wait3A_953, %dma_wait3A_954] : memref<4x64x128xf32, #tpu.memory_space<vmem>> -> memref<1x8x128xf32, #tpu.memory_space<vmem>>
    %dma_wait3A_956 = tpu.memref_squeeze %dma_wait3A_955 : memref<1x8x128xf32, #tpu.memory_space<vmem>> -> memref<8x128xf32, #tpu.memory_space<vmem>>
    %dma_wait3A_957 = arith.constant 40 : i32
    %dma_wait3A_958 = tpu.memref_slice %arg2[%dma_wait3A_957, %multiple_of3A_357] : memref<64x1000000xf32, #tpu.memory_space<hbm>> -> memref<8x128xf32, #tpu.memory_space<hbm>>
    tpu.wait_dma2 semaphore(%arg8 : memref<!tpu.dma_semaphore, #tpu.memory_space<semaphore_mem>>) src(%dma_wait3A_958 : memref<8x128xf32, #tpu.memory_space<hbm>>) dst(%dma_wait3A_956 : memref<8x128xf32, #tpu.memory_space<vmem>>)
    %dma_wait3A_959 = arith.constant 3 : i32
    %dma_wait3A_960 = arith.constant 48 : i32
    %dma_wait3A_961 = arith.constant 0 : i32
    %dma_wait3A_962 = tpu.memref_slice %arg6[%dma_wait3A_959, %dma_wait3A_960, %dma_wait3A_961] : memref<4x64x128xf32, #tpu.memory_space<vmem>> -> memref<1x8x128xf32, #tpu.memory_space<vmem>>
    %dma_wait3A_963 = tpu.memref_squeeze %dma_wait3A_962 : memref<1x8x128xf32, #tpu.memory_space<vmem>> -> memref<8x128xf32, #tpu.memory_space<vmem>>
    %dma_wait3A_964 = arith.constant 48 : i32
    %dma_wait3A_965 = tpu.memref_slice %arg2[%dma_wait3A_964, %multiple_of3A_357] : memref<64x1000000xf32, #tpu.memory_space<hbm>> -> memref<8x128xf32, #tpu.memory_space<hbm>>
    %dma_wait3A_966 = arith.constant 48 : i32
    %dma_wait3A_967 = arith.constant 0 : i32
    %dma_wait3A_968 = tpu.memref_slice %arg6[%dma_wait3A_959, %dma_wait3A_966, %dma_wait3A_967] : memref<4x64x128xf32, #tpu.memory_space<vmem>> -> memref<1x8x128xf32, #tpu.memory_space<vmem>>
    %dma_wait3A_969 = tpu.memref_squeeze %dma_wait3A_968 : memref<1x8x128xf32, #tpu.memory_space<vmem>> -> memref<8x128xf32, #tpu.memory_space<vmem>>
    %dma_wait3A_970 = arith.constant 48 : i32
    %dma_wait3A_971 = tpu.memref_slice %arg2[%dma_wait3A_970, %multiple_of3A_357] : memref<64x1000000xf32, #tpu.memory_space<hbm>> -> memref<8x128xf32, #tpu.memory_space<hbm>>
    tpu.wait_dma2 semaphore(%arg8 : memref<!tpu.dma_semaphore, #tpu.memory_space<semaphore_mem>>) src(%dma_wait3A_971 : memref<8x128xf32, #tpu.memory_space<hbm>>) dst(%dma_wait3A_969 : memref<8x128xf32, #tpu.memory_space<vmem>>)
    %dma_wait3A_972 = arith.constant 3 : i32
    %dma_wait3A_973 = arith.constant 56 : i32
    %dma_wait3A_974 = arith.constant 0 : i32
    %dma_wait3A_975 = tpu.memref_slice %arg6[%dma_wait3A_972, %dma_wait3A_973, %dma_wait3A_974] : memref<4x64x128xf32, #tpu.memory_space<vmem>> -> memref<1x8x128xf32, #tpu.memory_space<vmem>>
    %dma_wait3A_976 = tpu.memref_squeeze %dma_wait3A_975 : memref<1x8x128xf32, #tpu.memory_space<vmem>> -> memref<8x128xf32, #tpu.memory_space<vmem>>
    %dma_wait3A_977 = arith.constant 56 : i32
    %dma_wait3A_978 = tpu.memref_slice %arg2[%dma_wait3A_977, %multiple_of3A_357] : memref<64x1000000xf32, #tpu.memory_space<hbm>> -> memref<8x128xf32, #tpu.memory_space<hbm>>
    %dma_wait3A_979 = arith.constant 56 : i32
    %dma_wait3A_980 = arith.constant 0 : i32
    %dma_wait3A_981 = tpu.memref_slice %arg6[%dma_wait3A_972, %dma_wait3A_979, %dma_wait3A_980] : memref<4x64x128xf32, #tpu.memory_space<vmem>> -> memref<1x8x128xf32, #tpu.memory_space<vmem>>
    %dma_wait3A_982 = tpu.memref_squeeze %dma_wait3A_981 : memref<1x8x128xf32, #tpu.memory_space<vmem>> -> memref<8x128xf32, #tpu.memory_space<vmem>>
    %dma_wait3A_983 = arith.constant 56 : i32
    %dma_wait3A_984 = tpu.memref_slice %arg2[%dma_wait3A_983, %multiple_of3A_357] : memref<64x1000000xf32, #tpu.memory_space<hbm>> -> memref<8x128xf32, #tpu.memory_space<hbm>>
    tpu.wait_dma2 semaphore(%arg8 : memref<!tpu.dma_semaphore, #tpu.memory_space<semaphore_mem>>) src(%dma_wait3A_984 : memref<8x128xf32, #tpu.memory_space<hbm>>) dst(%dma_wait3A_982 : memref<8x128xf32, #tpu.memory_space<vmem>>)
    %and3A_985 = arith.constant 127 : i32
    %and3A_986 = arith.andi %select_n3A_29, %and3A_985 : i32
    %broadcast_in_dim3A_987 = vector.broadcast %and3A_986 : i32 to vector<16xi32>
    %broadcast_in_dim3A_988 = arith.constant 3 : i32
    %broadcast_in_dim3A_989 = vector.broadcast %broadcast_in_dim3A_988 : i32 to vector<16xi32>
    %add3A_990 = arith.constant 0 : i32
    %add3A_991 = vector.broadcast %add3A_990 : i32 to vector<16xi32>
    %add3A_992 = arith.addi %iota3A, %add3A_991 : vector<16xi32>
    %gather3A_993 = tpu.vector_load_idx %arg6[%broadcast_in_dim3A_989, %add3A_992, %broadcast_in_dim3A_987] : memref<4x64x128xf32, #tpu.memory_space<vmem>>[vector<16xi32>, vector<16xi32>, vector<16xi32>], vector<16xf32>,
    %swap3A_994 = arith.constant 3 : i32
    %swap3A_995 = arith.index_cast %swap3A_994 : i32 to index
    %swap3A_996 = arith.constant 0 : index
    %swap3A_997 = tpu.vector_load %arg7[%swap3A_995, %swap3A_996] {strides = array<i32>} : memref<4x64xf32, #tpu.memory_space<vmem>>, vector<16xf32>,
    tpu.vector_store %arg7[%swap3A_995, %swap3A_996], %gather3A_993 {strides = array<i32>} : memref<4x64xf32, #tpu.memory_space<vmem>>, vector<16xf32>,
    %add3A_998 = arith.constant 16 : i32
    %add3A_999 = vector.broadcast %add3A_998 : i32 to vector<16xi32>
    %add3A_1000 = arith.addi %iota3A, %add3A_999 : vector<16xi32>
    %gather3A_1001 = tpu.vector_load_idx %arg6[%broadcast_in_dim3A_989, %add3A_1000, %broadcast_in_dim3A_987] : memref<4x64x128xf32, #tpu.memory_space<vmem>>[vector<16xi32>, vector<16xi32>, vector<16xi32>], vector<16xf32>,
    %swap3A_1002 = arith.constant 3 : i32
    %swap3A_1003 = arith.index_cast %swap3A_1002 : i32 to index
    %swap3A_1004 = arith.constant 16 : index
    %swap3A_1005 = tpu.vector_load %arg7[%swap3A_1003, %swap3A_1004] {strides = array<i32>} : memref<4x64xf32, #tpu.memory_space<vmem>>, vector<16xf32>,
    tpu.vector_store %arg7[%swap3A_1003, %swap3A_1004], %gather3A_1001 {strides = array<i32>} : memref<4x64xf32, #tpu.memory_space<vmem>>, vector<16xf32>,
    %add3A_1006 = arith.constant 32 : i32
    %add3A_1007 = vector.broadcast %add3A_1006 : i32 to vector<16xi32>
    %add3A_1008 = arith.addi %iota3A, %add3A_1007 : vector<16xi32>
    %gather3A_1009 = tpu.vector_load_idx %arg6[%broadcast_in_dim3A_989, %add3A_1008, %broadcast_in_dim3A_987] : memref<4x64x128xf32, #tpu.memory_space<vmem>>[vector<16xi32>, vector<16xi32>, vector<16xi32>], vector<16xf32>,
    %swap3A_1010 = arith.constant 3 : i32
    %swap3A_1011 = arith.index_cast %swap3A_1010 : i32 to index
    %swap3A_1012 = arith.constant 32 : index
    %swap3A_1013 = tpu.vector_load %arg7[%swap3A_1011, %swap3A_1012] {strides = array<i32>} : memref<4x64xf32, #tpu.memory_space<vmem>>, vector<16xf32>,
    tpu.vector_store %arg7[%swap3A_1011, %swap3A_1012], %gather3A_1009 {strides = array<i32>} : memref<4x64xf32, #tpu.memory_space<vmem>>, vector<16xf32>,
    %add3A_1014 = arith.constant 48 : i32
    %add3A_1015 = vector.broadcast %add3A_1014 : i32 to vector<16xi32>
    %add3A_1016 = arith.addi %iota3A, %add3A_1015 : vector<16xi32>
    %gather3A_1017 = tpu.vector_load_idx %arg6[%broadcast_in_dim3A_989, %add3A_1016, %broadcast_in_dim3A_987] : memref<4x64x128xf32, #tpu.memory_space<vmem>>[vector<16xi32>, vector<16xi32>, vector<16xi32>], vector<16xf32>,
    %swap3A_1018 = arith.constant 3 : i32
    %swap3A_1019 = arith.index_cast %swap3A_1018 : i32 to index
    %swap3A_1020 = arith.constant 48 : index
    %swap3A_1021 = tpu.vector_load %arg7[%swap3A_1019, %swap3A_1020] {strides = array<i32>} : memref<4x64xf32, #tpu.memory_space<vmem>>, vector<16xf32>,
    tpu.vector_store %arg7[%swap3A_1019, %swap3A_1020], %gather3A_1017 {strides = array<i32>} : memref<4x64xf32, #tpu.memory_space<vmem>>, vector<16xf32>,
    "tpu.region"() ({
      %run_scoped3A = tpu.sem_alloc : memref<!tpu.dma_semaphore, #tpu.memory_space<semaphore_mem>>
      %dma_start3A_1022 = arith.constant 0 : i32
      %dma_start3A_1023 = arith.constant 0 : i32
      %dma_start3A_1024 = tpu.memref_slice %arg4[%add3A, %dma_start3A_1022, %dma_start3A_1023] : memref<32x4x64xf32, #tpu.memory_space<hbm>> -> memref<1x4x64xf32, #tpu.memory_space<hbm>>
      %dma_start3A_1025 = tpu.memref_squeeze %dma_start3A_1024 : memref<1x4x64xf32, #tpu.memory_space<hbm>> -> memref<4x64xf32, #tpu.memory_space<hbm>>
      %dma_start3A_1026 = arith.constant 0 : i32
      %dma_start3A_1027 = arith.constant 0 : i32
      %dma_start3A_1028 = tpu.memref_slice %arg4[%add3A, %dma_start3A_1026, %dma_start3A_1027] : memref<32x4x64xf32, #tpu.memory_space<hbm>> -> memref<1x4x64xf32, #tpu.memory_space<hbm>>
      %dma_start3A_1029 = tpu.memref_squeeze %dma_start3A_1028 : memref<1x4x64xf32, #tpu.memory_space<hbm>> -> memref<4x64xf32, #tpu.memory_space<hbm>>
      tpu.enqueue_dma source(%arg7 : memref<4x64xf32, #tpu.memory_space<vmem>>) target(%dma_start3A_1029 : memref<4x64xf32, #tpu.memory_space<hbm>>) target_semaphore(%run_scoped3A : memref<!tpu.dma_semaphore, #tpu.memory_space<semaphore_mem>>)
      %dma_wait3A_1030 = arith.constant 0 : i32
      %dma_wait3A_1031 = arith.constant 0 : i32
      %dma_wait3A_1032 = tpu.memref_slice %arg4[%add3A, %dma_wait3A_1030, %dma_wait3A_1031] : memref<32x4x64xf32, #tpu.memory_space<hbm>> -> memref<1x4x64xf32, #tpu.memory_space<hbm>>
      %dma_wait3A_1033 = tpu.memref_squeeze %dma_wait3A_1032 : memref<1x4x64xf32, #tpu.memory_space<hbm>> -> memref<4x64xf32, #tpu.memory_space<hbm>>
      %dma_wait3A_1034 = arith.constant 0 : i32
      %dma_wait3A_1035 = arith.constant 0 : i32
      %dma_wait3A_1036 = tpu.memref_slice %arg4[%add3A, %dma_wait3A_1034, %dma_wait3A_1035] : memref<32x4x64xf32, #tpu.memory_space<hbm>> -> memref<1x4x64xf32, #tpu.memory_space<hbm>>
      %dma_wait3A_1037 = tpu.memref_squeeze %dma_wait3A_1036 : memref<1x4x64xf32, #tpu.memory_space<hbm>> -> memref<4x64xf32, #tpu.memory_space<hbm>>
      tpu.wait_dma2 semaphore(%run_scoped3A : memref<!tpu.dma_semaphore, #tpu.memory_space<semaphore_mem>>) src(%arg7 : memref<4x64xf32, #tpu.memory_space<vmem>>) dst(%dma_wait3A_1037 : memref<4x64xf32, #tpu.memory_space<hbm>>)
      tpu.yield
    }) : () -> ()
    return
  }
}

</mosaic_0001>

<sc_bundles>
// kernel: kernel.3.cloned.1.call-start
scs
__scs_entry_jumppad:
0x0: {  	(pc) =	sbr.rel $0x88, $3  }
0x1: {  	(tag) =	ssettag $0x0;
	lr =	simm.s32 $0x1  }
0x2: {  	[smem:$0x3F9F] =	sst lr;
	_ =	strace $0xD0000000  }
0x3: {  	_ = 	snop  }
0x4: {  	_ = 	snop  }
0x5: {  	_ = 	snop  }
0x6: {  	_ = 	snop  }
0x7: {  	_ = 	snop  }
__scs_overlays_trampoline_lowered:
0x8: {  	[smem:$0x3FAE] =	sst s0  }
0x9: {  	[smem:$0x3FAF] =	sst s1  }
0xa: {  	[smem:$0x3FB0] =	sst s2  }
0xb: {  	[smem:$0x3FB1] =	sst s3  }
0xc: {  	[smem:$0x3FB2] =	sst s4  }
0xd: {  	[smem:$0x3FB3] =	sst s5  }
0xe: {  	[smem:$0x3FB4] =	sst s6  }
0xf: {  	[smem:$0x3FB5] =	sst s7  }
0x10: {  	[smem:$0x3FB6] =	sst s8  }
0x11: {  	[smem:$0x3FB7] =	sst s9;
	s0 =	simm.s32 @!p0 $0x0  }
0x12: {  	s1 =	sld [smem:$0x3F9D];
	s0 =	simm.s32 @p0 $0x1  }
0x13: {  	[smem:$0x3FB8] =	sst s0;
	s0 =	simm.s32 @!p1 $0x0  }
0x14: {  	s2 =	sld [smem:$0x3F9C];
	s0 =	simm.s32 @p1 $0x1  }
0x15: {  	[smem:$0x3FB9] =	sst s0;
	s0 =	simm.s32 @!p2 $0x0  }
0x16: {  	s3 =	sld [smem:$0x3FDB];
	s0 =	simm.s32 @p2 $0x1  }
0x17: {  	s4 =	simm.s32 $0x1BF5;
	[smem:$0x3FBB] =	sst s0  }
0x18: {  	s0 =	sld [smem:$0x3F9E];
	_ =	swait.ge [sflag:s4], $0x0  }
0x19: {  	s7 =	sld [smem:$0x3F9F]  }
0x1a: {  	s8 =	sadd.s32 $0xFFFFE003, lr  }
0x1b: {  	s9 =	sadd.s32 $0xFFFFFEF7, lr;
	s5 =	simm.s32 $0xFFFFFFFF;
	p2 =	slt.u32 s8, $0xFFFFF086  }
0x1c: {  	p1 =	slt.u32 s9, $0xF7A;
	s5 =	simm.s32 @!p2 $0x0  }
0x1d: {  	s5 =	simm.s32 @p1 $0x1;
	p0 =	seq.s32 s7, s2  }
0x1e: {  	s7 =	smul.u32 @!p0 $0xF7A, s2;
	p2 =	seq.s32 @!p0 s5, $0x0  }
0x1f: {  	s9 =	smul.u32 $0xF7A, s1;
	s8 =	simm.s32 @!p0 $0x1BF5;
	p2 =	por !p2, p0  }
0x20: {  	[sflag:s8] =	ssyncset.s32 @!p0 $0xFFFFF086;
	s6 =	sadd.s32 @!p0 s3, s7;
	s7 =	simm.s32 @!p0 $0x108  }
0x21: {  	s3 =	sadd.s32 s3, s9;
	s6 =	sadd.s32 @!p0 $0x88, s6;
	s7 =	simm.s32 @p2 $0x1082  }
0x22: {  	[simem:s7], [sflag:s8] =	dma.local @!p0 [hbm:s6], $0xF7A  }
0x23: {  	s9 =	sor.u32 $0xD0000000, s2;
	s6 =	simm.s32 $0x108;
	_ =	swait.ge @!p0 [sflag:s8], $0x0  }
0x24: {  	s3 =	sadd.s32 $0x88, s3;
	s6 =	simm.s32 @!p1 $0x1082;
	[sflag:s4] =	ssyncset.s32 $0xFFFFF086  }
0x25: {  	[simem:s6], [sflag:s4] =	dma.local [hbm:s3], $0xF7A  }
0x26: {  	[smem:$0x3F9F] =	sst s1;
	(tag) =	ssettag s2;
	_ =	strace s9  }
0x27: {  	s1 =	sld [smem:$0x3FAF]  }
0x28: {  	s2 =	sld [smem:$0x3FB0]  }
0x29: {  	s4 =	sld [smem:$0x3FB2]  }
0x2a: {  	p0 =	seq.s32 s5, $0x0;
	s5 =	sld [smem:$0x3FB3]  }
0x2b: {  	s6 =	sld [smem:$0x3FB4]  }
0x2c: {  	s7 =	sld [smem:$0x3FB5]  }
0x2d: {  	s3 =	simm.s32 $0x108;
	s8 =	sld [smem:$0x3FB6]  }
0x2e: {  	s3 =	simm.s32 @!p0 $0x1082;
	s9 =	sld [smem:$0x3FB7]  }
0x2f: {  	lr =	sadd.s32 s0, s3;
	s0 =	sld [smem:$0x3FAE]  }
0x30: {  	s3 =	sld [smem:$0x3FB1]  }
0x31: {  	[smem:$0x3FBA] =	sst s10  }
0x32: {  	s10 =	sld [smem:$0x3FB8];
	_ =	sdelay $0x3  }
0x33: {  	p0 =	seq.s32 s10, $0x1;
	s10 =	sld [smem:$0x3FBA];
	_ =	sdelay $0x3  }
0x34: {  	[smem:$0x3FBA] =	sst s10  }
0x35: {  	s10 =	sld [smem:$0x3FB9];
	_ =	sdelay $0x3  }
0x36: {  	p1 =	seq.s32 s10, $0x1;
	s10 =	sld [smem:$0x3FBA];
	_ =	sdelay $0x3  }
0x37: {  	[smem:$0x3FBA] =	sst s10  }
0x38: {  	s10 =	sld [smem:$0x3FBB]  }
0x39: {  	_ = 	snop;
	(pc) =	sbr.ind lr, $3  }
0x3a: {  	_ = 	snop  }
0x3b: {  	_ = 	snop  }
0x3c: {  	p2 =	seq.s32 s10, $0x1;
	s10 =	sld [smem:$0x3FBA]  }
0x3d: {  	_ =	shalt  }
0x3e: {  	_ =	shalt  }
0x3f: {  	_ =	shalt  }
0x40: {  	_ =	shalt  }
0x41: {  	_ =	shalt  }
0x42: {  	_ =	shalt  }
0x43: {  	_ =	shalt  }
0x44: {  	_ =	shalt  }
0x45: {  	_ =	shalt  }
0x46: {  	_ =	shalt  }
0x47: {  	_ =	shalt  }
0x48: {  	_ =	shalt  }
0x49: {  	_ =	shalt  }
0x4a: {  	_ =	shalt  }
0x4b: {  	_ =	shalt  }
0x4c: {  	_ =	shalt  }
0x4d: {  	_ =	shalt  }
0x4e: {  	_ =	shalt  }
0x4f: {  	_ =	shalt  }
0x50: {  	_ =	shalt  }
0x51: {  	_ =	shalt  }
0x52: {  	_ =	shalt  }
0x53: {  	_ =	shalt  }
0x54: {  	_ =	shalt  }
0x55: {  	_ =	shalt  }
0x56: {  	_ =	shalt  }
0x57: {  	_ =	shalt  }
0x58: {  	_ =	shalt  }
0x59: {  	_ =	shalt  }
0x5a: {  	_ =	shalt  }
0x5b: {  	_ =	shalt  }
0x5c: {  	_ =	shalt  }
0x5d: {  	_ =	shalt  }
0x5e: {  	_ =	shalt  }
0x5f: {  	_ =	shalt  }
0x60: {  	_ =	shalt  }
0x61: {  	_ =	shalt  }
0x62: {  	_ =	shalt  }
0x63: {  	_ =	shalt  }
0x64: {  	_ =	shalt  }
0x65: {  	_ =	shalt  }
0x66: {  	_ =	shalt  }
0x67: {  	_ =	shalt  }
0x68: {  	_ =	shalt  }
0x69: {  	_ =	shalt  }
0x6a: {  	_ =	shalt  }
0x6b: {  	_ =	shalt  }
0x6c: {  	_ =	shalt  }
0x6d: {  	_ =	shalt  }
0x6e: {  	_ =	shalt  }
0x6f: {  	_ =	shalt  }
0x70: {  	_ =	shalt  }
0x71: {  	_ =	shalt  }
0x72: {  	_ =	shalt  }
0x73: {  	_ =	shalt  }
0x74: {  	_ =	shalt  }
0x75: {  	_ =	shalt  }
0x76: {  	_ =	shalt  }
0x77: {  	_ =	shalt  }
0x78: {  	_ =	shalt  }
0x79: {  	_ =	shalt  }
0x7a: {  	_ =	shalt  }
0x7b: {  	_ =	shalt  }
0x7c: {  	_ =	shalt  }
0x7d: {  	_ =	shalt  }
0x7e: {  	_ =	shalt  }
0x7f: {  	_ =	shalt  }
0x80: {  	_ =	shalt  }
0x81: {  	_ =	shalt  }
0x82: {  	_ =	shalt  }
0x83: {  	_ =	shalt  }
0x84: {  	_ =	shalt  }
0x85: {  	_ =	shalt  }
0x86: {  	_ =	shalt  }
0x87: {  	_ =	shalt  }
.Lfunc_end0:
.L_simem_size_0:
called_computation_lowered:
.L_overlay_start_0:
0x88: {  	s2 =	sld [smem:$0x3FD9]  }
0x89: {  	s3 =	sld [smem:$0x3FFE];
	_ =	sdelay $0x1  }
0x8a: {  	s1 =	srdreg.scid  }
0x8b: {  	s0 =	sand.u32 $0x1, s1  }
0x8c: {  	s17 =	sshll.u32 s0, $0xA;
	s2 =	sadd.s32 s3, s2  }
0x8d: {  	s2 =	sadd.s32 s2, s17  }
0x8e: {  	[smem:$0x3FC6] =	sst s2  }
0x8f: {  	_ = 	snop  }
0x90: {  	s2 =	sld [smem:$0x3FC9]  }
0x91: {  	s18 =	sld [smem:$0x3FC8];
	(tm) =	ssettm $0x1  }
0x92: {  	s4 =	sld [smem:$0x3FFB];
	_ =	sdelay $0x3  }
0x93: {  	_ =	strace s4  }
0x94: {  	s4 =	sld [smem:$0x3FFC];
	_ =	sdelay $0x3  }
0x95: {  	_ =	strace s4  }
0x96: {  	s4 =	sld [smem:$0x3FFD];
	_ =	sdelay $0x3  }
0x97: {  	_ =	strace s4  }
0x98: {  	_ =	strace $0x8FFFFFFF  }
0x99: {  	s19 =	sld [smem:$0x3FDB];
	_ =	sdelay $0x1  }
0x9a: {  	s5 =	simm.s32 $_scs_section_size  }
0x9b: {  	s6 =	simm.s32 $_size__tile_overlayer_lowered;
	s7 =	simm.s32 $_tile_overlayer_lowered  }
0x9c: {  	s22 =	simm.s32 $0x1BFF;
	s21 =	sshll.u32 s7, $0x1;
	s4 =	sadd.s32 s5, s19  }
0x9d: {  	s8 =	simm.s32 $0x0;
	s20 =	sshll.u32 s6, $0x1;
	s6 =	sadd.s32 s21, s4  }
0x9e: {  	[timem:s8], [sflag:s22] =	dma.local [hbm:s6], s20  }
0x9f: {  	_ =	swait.ge [sflag:s22], s20  }
0xa0: {  	s5 =	ssub.s32 $0x0, s20;
	[sflag:s22] =	ssyncset.done $0x0  }
0xa1: {  	[sflag:s22] =	ssyncadd.s32 s5;
	_ =	sdelay $0x1  }
0xa2: {  	s23 =	simm.s32 $0x1B8B  }
0xa3: {  	_ =	swait.ge [sflag:s23], $0x1  }
0xa4: {  	[sflag:s23] =	ssyncset.done $0x0  }
0xa5: {  	s25 =	simm.s32 $0x1B8E;
	s24 =	sld [smem:$0x3FFE];
	[sflag:s23] =	ssyncadd.s32 $0xFFFFFFFF  }
0xa6: {  	s26 =	simm.s32 $execute0_lowered;
	[smem:$0x3FD2] =	sst s25  }
0xa7: {  	s6 =	sshll.u32 s26, $0x1;
	_ =	strace $0x80000046;
	[dreg:$0x1] =	wrdreg $0xFFFFFFFF  }
0xa8: {  	s28 =	simm.s32 $_size_execute0_lowered;
	s4 =	sadd.s32 s4, s6;
	[dreg:$0x0] =	wrdreg $0x0  }
0xa9: {  	s6 =	sshll.u32 s28, $0x1;
	[dreg:$0x2] =	wrdreg s4  }
0xaa: {  	[dreg:$0x3] =	wrdreg s6  }
0xab: {  	[dreg:$0x4] =	wrdreg $0xC0  }
0xac: {  	_ =	task [dreg:s8], $0x5FFFF  }
0xad: {  	[dreg:$0x1] =	wrdreg $0xFFFFFFFF  }
0xae: {  	[dreg:$0x0] =	wrdreg $0x60  }
0xaf: {  	[dreg:$0x2] =	wrdreg s2  }
0xb0: {  	[dreg:$0x3] =	wrdreg s18  }
0xb1: {  	[dreg:$0x4] =	wrdreg s24  }
0xb2: {  	[dreg:$0x5] =	wrdreg $0x9  }
0xb3: {  	_ =	task.clear_ibuf [dreg:s8], $0x6FFFF;
	_ =	strace $0x90000046  }
0xb4: {  	s29 =	simm.s32 $0x9;
	_ =	strace $0x80000048  }
0xb5: {  	_ =	swait.ge [sflag:s29], $0x1  }
0xb6: {  	[sflag:s29] =	ssyncadd.s32 $0xFFFFFFFF  }
0xb7: {  	_ =	strace $0x90000048  }
0xb8: {  	_ =	sfence  }
0xb9: {  	s30 =	sld [smem:$0x0];
	_ =	sdelay $0x2  }
0xba: {  	s31 =	sshll.u32 s1, $0xD;
	s1 =	sshrl.u32 s1, $0x2  }
0xbb: {  	s3 =	sand.u32 $0x4000, s31;
	s1 =	sadd.s32 s1, s30  }
0xbc: {  	s0 =	sor.u32 s3, s0;
	s1 =	sshll.u32 s1, $0x11  }
0xbd: {  	s0 =	sor.u32 s1, s0  }
0xbe: {  	s0 =	sadd.s32 $0x8F2B, s0  }
0xbf: {  	[sflag:s0] =	ssyncadd.remote.s32 $0x1  }
0xc0: {  	_ =	sfence.sel $0xFFFF  }
0xc1: {  	[dreg:$0x0] =	wrdreg $0xFFFFFFFF;
	(pc) =	sbr.abs _section_cstart, $3  }
0xc2: {  	[dreg:$0x1] =	wrdreg $0xFFFFFFFF  }
0xc3: {  	_ =	task.clear_ibuf [dreg:s8], $0x2FFFF;
	_ =	strace $0x9FFFFFFF  }
0xc4: {  	(tm) =	ssettm $0x7FFFFFFF  }
0xc5: {  	_ =	shalt  }
tec
execute0_lowered:
.L_overlay_start_1:
0x0: {  	(tag) =	ssettag $0x1  }
0x1: {  	s2 =	rddreg [dreg:$0x0]  }
0x2: {  	s0 =	rddreg [dreg:$0x1]  }
0x3: {  	s4 =	rddreg [dreg:$0x2]  }
0x4: {  	[dreg:$0x4] =	wrdreg s0  }
0x5: {  	s3 =	simm.s32 $0x0;
	s0 =	rddreg [dreg:$0x3]  }
0x6: {  	s21 =	simm.s32 $0x500;
	[smem:$0x7FF] =	sst s3  }
0x7: {  	s22 =	simm.s32 $0x900;
	_ =	strace $0x80000047;
	[dreg:$0x7] =	wrdreg s21  }
0x8: {  	s23 =	simm.s32 $0xD00;
	[dreg:$0x8] =	wrdreg s22  }
0x9: {  	s24 =	simm.s32 $0x1100;
	[dreg:$0x9] =	wrdreg s23  }
0xa: {  	s25 =	simm.s32 $0x1500;
	[dreg:$0xa] =	wrdreg s24  }
0xb: {  	s26 =	simm.s32 $0x1900;
	[dreg:$0xb] =	wrdreg s25  }
0xc: {  	s28 =	simm.s32 $0x1D00;
	[dreg:$0xc] =	wrdreg s26  }
0xd: {  	s29 =	simm.s32 $0x2100;
	[dreg:$0xd] =	wrdreg s28  }
0xe: {  	s30 =	simm.s32 $0x2500;
	[dreg:$0xe] =	wrdreg s29  }
0xf: {  	s31 =	simm.s32 $0x2900;
	[dreg:$0xf] =	wrdreg s30  }
0x10: {  	s6 =	simm.s32 $0x3100;
	[dreg:$0x10] =	wrdreg s31  }
0x11: {  	s8 =	simm.s32 $0x3500;
	[dreg:$0x12] =	wrdreg s6  }
0x12: {  	s9 =	simm.s32 $0x3900;
	[dreg:$0x13] =	wrdreg s8  }
0x13: {  	s10 =	simm.s32 $0x3D00;
	[dreg:$0x14] =	wrdreg s9  }
0x14: {  	s11 =	simm.s32 $0x4100;
	[dreg:$0x15] =	wrdreg s10  }
0x15: {  	s12 =	simm.s32 $0x4500;
	[dreg:$0x16] =	wrdreg s11  }
0x16: {  	s13 =	simm.s32 $0x4900;
	[dreg:$0x17] =	wrdreg s12  }
0x17: {  	s17 =	srdreg.scid;
	s14 =	simm.s32 $0x4D00;
	[dreg:$0x18] =	wrdreg s13  }
0x18: {  	s1 =	stileid.u32;
	s15 =	simm.s32 $0x5100;
	[dreg:$0x19] =	wrdreg s14  }
0x19: {  	s16 =	simm.s32 $0x5500;
	s7 =	sand.u32 $0x1, s17;
	[dreg:$0x1a] =	wrdreg s15  }
0x1a: {  	s19 =	sshll.u32 s1, $0x5;
	s17 =	simm.s32 $0x5900;
	[dreg:$0x1b] =	wrdreg s16  }
0x1b: {  	s20 =	sshrl.u32 s19, $0x2;
	[dreg:$0x1c] =	wrdreg s17  }
0x1c: {  	s19 =	simm.s32 $0x6100;
	[dreg:$0x6] =	wrdreg s20  }
0x1d: {  	s21 =	simm.s32 $0x6900;
	[dreg:$0x1e] =	wrdreg s19  }
0x1e: {  	s22 =	simm.s32 $0x6D00;
	[smem:$0x7F7] =	sst s21  }
0x1f: {  	s23 =	simm.s32 $0x7100;
	[smem:$0x7F8] =	sst s22  }
0x20: {  	s24 =	simm.s32 $0x7500;
	[smem:$0x7F9] =	sst s23  }
0x21: {  	s25 =	simm.s32 $0x7900;
	[smem:$0x7FA] =	sst s24  }
0x22: {  	[smem:$0x7FB] =	sst s25  }
0x23: {  	s26 =	simm.s32 $0x7D00;
	s28 =	rddreg [dreg:$0x4]  }
0x24: {  	s5 =	sshll.u32 s7, $0x6;
	s6 =	simm.s32 $0x8100;
	[smem:$0x7FC] =	sst s26  }
0x25: {  	s4 =	sadd.s32 s5, s4;
	s5 =	simm.s32 $0x2D00;
	[smem:$0x7FD] =	sst s6  }
0x26: {  	s18 =	sshll.u32 s1, $0x7;
	s20 =	simm.s32 $0x6500;
	[dreg:$0x11] =	wrdreg s5  }
0x27: {  	s4 =	sadd.s32 s18, s4;
	s18 =	simm.s32 $0x5D00;
	[dreg:$0x1f] =	wrdreg s20  }
0x28: {  	[tilespmem:s3], [sflag:$0x2] =	stream.linear.gather [hbm4b:s28+s3], $0x80, $0x38;
	[tilespmem:$0x8300] =	vst v63  }
0x29: {  	s4 =	sadd.s32 $0x400, s4;
	[dreg:$0x1d] =	wrdreg s18  }
0x2a: {  	[dreg:$0x5] =	wrdreg s4;
	s4 =	simm.s32 $0x2  }
0x2b: {  	_ =	swait.ge [sflag:s4], $0x80  }
0x2c: {  	[sflag:s4] =	ssyncset.done $0x0  }
0x2d: {  	s29 =	rddreg [dreg:$0x6];
	[sflag:s4] =	ssyncadd.s32 $0xFFFFFF80  }
0x2e: {  	v0 =	vld [tilespmem:s29+$0x0];
	_ =	sdelay $0x4  }
0x2f: {  	(v2sf) =	vpush v0, $0x1  }
0x30: {  	(v2sf) =	vpush v0, $0x0  }
0x31: {  	(v2sf) =	vpush v0, $0x4;
	_ =	sdelay $0xc  }
0x32: {  	(v2sf) =	vpush v0, $0x5;
	s6 =	spop (v2sf)  }
0x33: {  	s5 =	spop (v2sf)  }
0x34: {  	p0 =	seq.s32 s7, $0x0;
	s11 =	spop (v2sf)  }
0x35: {  	s11 =	smov.u32 @p0 s5  }
0x36: {  	s8 =	sand.u32 $0xFFFFF80, s11  }
0x37: {  	s9 =	rddreg [dreg:$0x7];
	s5 =	simm.s32 $0x100;
	s8 =	sadd.s32 s2, s8  }
0x38: {  	[tilespmem:s5], [sflag:$0x1] =	stream.linear.gather [hbm4b:s8+s3], $0x400, $0x38;
	[tilespmem:$0x8300] =	vst v63  }
0x39: {  	s10 =	rddreg [dreg:$0x8];
	s12 =	sadd.s32 $0xF4280, s8  }
0x3a: {  	[tilespmem:s9], [sflag:$0x1] =	stream.linear.gather [hbm4b:s12+s3], $0x400, $0x38;
	[tilespmem:$0x8300] =	vst v63  }
0x3b: {  	s30 =	rddreg [dreg:$0x9];
	s31 =	sadd.s32 $0x1E8500, s8  }
0x3c: {  	[tilespmem:s10], [sflag:$0x1] =	stream.linear.gather [hbm4b:s31+s3], $0x400, $0x38;
	[tilespmem:$0x8300] =	vst v63  }
0x3d: {  	s13 =	rddreg [dreg:$0xa];
	s14 =	sadd.s32 $0x2DC780, s8  }
0x3e: {  	(v2sf) =	vpush v0, $0x3;
	[tilespmem:s30], [sflag:$0x1] =	stream.linear.gather [hbm4b:s14+s3], $0x400, $0x38;
	[tilespmem:$0x8300] =	vst v63  }
0x3f: {  	s16 =	rddreg [dreg:$0xb];
	s15 =	sadd.s32 $0x3D0A00, s8  }
0x40: {  	(v2sf) =	vpush v0, $0x6;
	[tilespmem:s13], [sflag:$0x1] =	stream.linear.gather [hbm4b:s15+s3], $0x400, $0x38;
	[tilespmem:$0x8300] =	vst v63  }
0x41: {  	s19 =	rddreg [dreg:$0xd];
	s17 =	sadd.s32 $0x4C4C80, s8;
	s10 =	spop (v2sf)  }
0x42: {  	(v2sf) =	vpush v0, $0x2;
	[tilespmem:s16], [sflag:$0x1] =	stream.linear.gather [hbm4b:s17+s3], $0x400, $0x38;
	[tilespmem:$0x8300] =	vst v63  }
0x43: {  	s18 =	sadd.s32 $0x5B8F00, s8;
	s10 =	smov.u32 @p0 s6;
	s13 =	rddreg [dreg:$0xc]  }
0x44: {  	[tilespmem:s13], [sflag:$0x1] =	stream.linear.gather [hbm4b:s18+s3], $0x400, $0x38;
	[tilespmem:$0x8300] =	vst v63  }
0x45: {  	s21 =	rddreg [dreg:$0xe];
	s8 =	sadd.s32 $0x6AD180, s8;
	s20 =	sand.u32 $0xFFFFF80, s10  }
0x46: {  	[tilespmem:s19], [sflag:$0x1] =	stream.linear.gather [hbm4b:s8+s3], $0x400, $0x38;
	[tilespmem:$0x8300] =	vst v63  }
0x47: {  	s22 =	rddreg [dreg:$0xf];
	s6 =	sadd.s32 s2, s20  }
0x48: {  	[tilespmem:s21], [sflag:$0x1] =	stream.linear.gather [hbm4b:s6+s3], $0x400, $0x38;
	[tilespmem:$0x8300] =	vst v63  }
0x49: {  	s24 =	rddreg [dreg:$0x10];
	s23 =	sadd.s32 $0xF4280, s6  }
0x4a: {  	[tilespmem:s22], [sflag:$0x1] =	stream.linear.gather [hbm4b:s23+s3], $0x400, $0x38;
	[tilespmem:$0x8300] =	vst v63  }
0x4b: {  	s26 =	rddreg [dreg:$0x11];
	s25 =	sadd.s32 $0x1E8500, s6  }
0x4c: {  	[tilespmem:s24], [sflag:$0x1] =	stream.linear.gather [hbm4b:s25+s3], $0x400, $0x38;
	[tilespmem:$0x8300] =	vst v63  }
0x4d: {  	s29 =	rddreg [dreg:$0x12];
	s28 =	sadd.s32 $0x2DC780, s6;
	s12 =	spop (v2sf)  }
0x4e: {  	[tilespmem:s26], [sflag:$0x1] =	stream.linear.gather [hbm4b:s28+s3], $0x400, $0x38;
	[tilespmem:$0x8300] =	vst v63  }
0x4f: {  	s14 =	rddreg [dreg:$0x13];
	s30 =	sadd.s32 $0x3D0A00, s6;
	s9 =	spop (v2sf)  }
0x50: {  	[tilespmem:s29], [sflag:$0x1] =	stream.linear.gather [hbm4b:s30+s3], $0x400, $0x38;
	[tilespmem:$0x8300] =	vst v63  }
0x51: {  	s20 =	rddreg [dreg:$0x17];
	s31 =	sadd.s32 $0x4C4C80, s6;
	s8 =	spop (v2sf)  }
0x52: {  	(v2sf) =	vpush v0, $0x7;
	[tilespmem:s14], [sflag:$0x1] =	stream.linear.gather [hbm4b:s31+s3], $0x400, $0x38;
	[tilespmem:$0x8300] =	vst v63  }
0x53: {  	s15 =	rddreg [dreg:$0x14];
	s9 =	smov.u32 @p0 s8;
	s14 =	sadd.s32 $0x5B8F00, s6  }
0x54: {  	[tilespmem:s15], [sflag:$0x1] =	stream.linear.gather [hbm4b:s14+s3], $0x400, $0x38;
	[tilespmem:$0x8300] =	vst v63  }
0x55: {  	s16 =	rddreg [dreg:$0x15];
	s17 =	sand.u32 $0xFFFFF80, s9;
	s6 =	sadd.s32 $0x6AD180, s6  }
0x56: {  	[tilespmem:s16], [sflag:$0x1] =	stream.linear.gather [hbm4b:s6+s3], $0x400, $0x38;
	[tilespmem:$0x8300] =	vst v63  }
0x57: {  	s18 =	rddreg [dreg:$0x16];
	s19 =	sadd.s32 s2, s17  }
0x58: {  	[tilespmem:s18], [sflag:$0x1] =	stream.linear.gather [hbm4b:s19+s3], $0x400, $0x38;
	[tilespmem:$0x8300] =	vst v63  }
0x59: {  	s17 =	rddreg [dreg:$0x1f];
	s21 =	sadd.s32 $0xF4280, s19  }
0x5a: {  	[tilespmem:s20], [sflag:$0x1] =	stream.linear.gather [hbm4b:s21+s3], $0x400, $0x38;
	[tilespmem:$0x8300] =	vst v63  }
0x5b: {  	s22 =	rddreg [dreg:$0x18];
	s23 =	sadd.s32 $0x1E8500, s19  }
0x5c: {  	[tilespmem:s22], [sflag:$0x1] =	stream.linear.gather [hbm4b:s23+s3], $0x400, $0x38;
	[tilespmem:$0x8300] =	vst v63  }
0x5d: {  	s24 =	rddreg [dreg:$0x19];
	s25 =	sadd.s32 $0x2DC780, s19  }
0x5e: {  	[tilespmem:s24], [sflag:$0x1] =	stream.linear.gather [hbm4b:s25+s3], $0x400, $0x38;
	[tilespmem:$0x8300] =	vst v63  }
0x5f: {  	s26 =	rddreg [dreg:$0x1a];
	s28 =	sadd.s32 $0x3D0A00, s19  }
0x60: {  	[tilespmem:s26], [sflag:$0x1] =	stream.linear.gather [hbm4b:s28+s3], $0x400, $0x38;
	[tilespmem:$0x8300] =	vst v63  }
0x61: {  	s29 =	rddreg [dreg:$0x1b];
	s8 =	spop (v2sf);
	s30 =	sadd.s32 $0x4C4C80, s19  }
0x62: {  	[tilespmem:s29], [sflag:$0x1] =	stream.linear.gather [hbm4b:s30+s3], $0x400, $0x38;
	[tilespmem:$0x8300] =	vst v63  }
0x63: {  	s13 =	sadd.s32 $0x5B8F00, s19;
	s8 =	smov.u32 @p0 s12;
	s31 =	rddreg [dreg:$0x1c]  }
0x64: {  	[tilespmem:s31], [sflag:$0x1] =	stream.linear.gather [hbm4b:s13+s3], $0x400, $0x38;
	[tilespmem:$0x8300] =	vst v63  }
0x65: {  	s14 =	rddreg [dreg:$0x1d];
	s15 =	sand.u32 $0xFFFFF80, s8;
	s6 =	sadd.s32 $0x6AD180, s19  }
0x66: {  	[tilespmem:s14], [sflag:$0x1] =	stream.linear.gather [hbm4b:s6+s3], $0x400, $0x38;
	[tilespmem:$0x8300] =	vst v63  }
0x67: {  	s12 =	sadd.s32 s2, s15;
	s16 =	rddreg [dreg:$0x1e]  }
0x68: {  	[tilespmem:s16], [sflag:$0x1] =	stream.linear.gather [hbm4b:s12+s3], $0x400, $0x38;
	[tilespmem:$0x8300] =	vst v63  }
0x69: {  	s18 =	sadd.s32 $0xF4280, s12;
	s19 =	sld [smem:$0x7F7]  }
0x6a: {  	[tilespmem:s17], [sflag:$0x1] =	stream.linear.gather [hbm4b:s18+s3], $0x400, $0x38;
	[tilespmem:$0x8300] =	vst v63  }
0x6b: {  	s20 =	sadd.s32 $0x1E8500, s12;
	s21 =	sld [smem:$0x7F8]  }
0x6c: {  	[tilespmem:s19], [sflag:$0x1] =	stream.linear.gather [hbm4b:s20+s3], $0x400, $0x38;
	[tilespmem:$0x8300] =	vst v63  }
0x6d: {  	s22 =	sadd.s32 $0x2DC780, s12;
	s23 =	sld [smem:$0x7F9]  }
0x6e: {  	[tilespmem:s21], [sflag:$0x1] =	stream.linear.gather [hbm4b:s22+s3], $0x400, $0x38;
	[tilespmem:$0x8300] =	vst v63  }
0x6f: {  	s24 =	sadd.s32 $0x3D0A00, s12;
	s25 =	sld [smem:$0x7FA]  }
0x70: {  	[tilespmem:s23], [sflag:$0x1] =	stream.linear.gather [hbm4b:s24+s3], $0x400, $0x38;
	[tilespmem:$0x8300] =	vst v63  }
0x71: {  	s26 =	sadd.s32 $0x4C4C80, s12;
	s28 =	sld [smem:$0x7FB]  }
0x72: {  	[tilespmem:s25], [sflag:$0x1] =	stream.linear.gather [hbm4b:s26+s3], $0x400, $0x38;
	[tilespmem:$0x8300] =	vst v63  }
0x73: {  	s29 =	sadd.s32 $0x5B8F00, s12;
	s30 =	sld [smem:$0x7FC]  }
0x74: {  	[tilespmem:s28], [sflag:$0x1] =	stream.linear.gather [hbm4b:s29+s3], $0x400, $0x38;
	[tilespmem:$0x8300] =	vst v63  }
0x75: {  	s6 =	simm.s32 $0x1;
	s12 =	sadd.s32 $0x6AD180, s12  }
0x76: {  	[tilespmem:s30], [sflag:$0x1] =	stream.linear.gather [hbm4b:s12+s3], $0x400, $0x38;
	[tilespmem:$0x8300] =	vst v63  }
0x77: {  	_ =	swait.ge [sflag:s6], $0x400  }
0x78: {  	[sflag:s6] =	ssyncset.done $0x0  }
0x79: {  	[sflag:s6] =	ssyncadd.s32 $0xFFFFFC00  }
0x7a: {  	_ =	swait.ge [sflag:s6], $0x400  }
0x7b: {  	[sflag:s6] =	ssyncset.done $0x0  }
0x7c: {  	[sflag:s6] =	ssyncadd.s32 $0xFFFFFC00  }
0x7d: {  	_ =	swait.ge [sflag:s6], $0x400  }
0x7e: {  	[sflag:s6] =	ssyncset.done $0x0  }
0x7f: {  	[sflag:s6] =	ssyncadd.s32 $0xFFFFFC00  }
0x80: {  	_ =	swait.ge [sflag:s6], $0x400  }
0x81: {  	[sflag:s6] =	ssyncset.done $0x0  }
0x82: {  	[sflag:s6] =	ssyncadd.s32 $0xFFFFFC00  }
0x83: {  	_ =	swait.ge [sflag:s6], $0x400  }
0x84: {  	[sflag:s6] =	ssyncset.done $0x0  }
0x85: {  	[sflag:s6] =	ssyncadd.s32 $0xFFFFFC00  }
0x86: {  	_ =	swait.ge [sflag:s6], $0x400  }
0x87: {  	v0 =	vlaneseq.u32;
	[sflag:s6] =	ssyncset.done $0x0  }
0x88: {  	v0 =	vmul.u32 $0x80, v0;
	[sflag:s6] =	ssyncadd.s32 $0xFFFFFC00  }
0x89: {  	s11 =	sand.u32 $0x7F, s11;
	_ =	swait.ge [sflag:s6], $0x400  }
0x8a: {  	v2 =	vor.u32 s11, v0;
	[sflag:s6] =	ssyncset.done $0x0  }
0x8b: {  	[sflag:s6] =	ssyncadd.s32 $0xFFFFFC00  }
0x8c: {  	_ =	swait.ge [sflag:s6], $0x400  }
0x8d: {  	[sflag:s6] =	ssyncset.done $0x0  }
0x8e: {  	[sflag:s6] =	ssyncadd.s32 $0xFFFFFC00  }
0x8f: {  	v1 =	vor.u32 $0x800, v0;
	v2 =	vld.idx.msk [tilespmem:v2+s5+$0x0], $0xffff  }
0x90: {  	v3 =	vor.u32 s11, v1;
	_ =	sdelay $0x3  }
0x91: {  	[tilespmem:$0x8100] =	vst v2  }
0x92: {  	v2 =	vor.u32 $0x1000, v0;
	v3 =	vld.idx.msk [tilespmem:v3+s5+$0x0], $0xffff  }
0x93: {  	v4 =	vor.u32 s11, v2;
	_ =	sdelay $0x3  }
0x94: {  	[tilespmem:$0x8110] =	vst v3  }
0x95: {  	v3 =	vor.u32 $0x1800, v0;
	v4 =	vld.idx.msk [tilespmem:v4+s5+$0x0], $0xffff  }
0x96: {  	v5 =	vor.u32 s11, v3;
	_ =	sdelay $0x3  }
0x97: {  	[tilespmem:$0x8120] =	vst v4  }
0x98: {  	v4 =	vld.idx.msk [tilespmem:v5+s5+$0x0], $0xffff;
	_ =	sdelay $0x4  }
0x99: {  	[tilespmem:$0x8130] =	vst v4  }
0x9a: {  	_ =	swait.ge [sflag:s6], $0x400  }
0x9b: {  	[sflag:s6] =	ssyncset.done $0x0  }
0x9c: {  	[sflag:s6] =	ssyncadd.s32 $0xFFFFFC00  }
0x9d: {  	_ =	swait.ge [sflag:s6], $0x400  }
0x9e: {  	[sflag:s6] =	ssyncset.done $0x0  }
0x9f: {  	[sflag:s6] =	ssyncadd.s32 $0xFFFFFC00  }
0xa0: {  	_ =	swait.ge [sflag:s6], $0x400  }
0xa1: {  	[sflag:s6] =	ssyncset.done $0x0  }
0xa2: {  	[sflag:s6] =	ssyncadd.s32 $0xFFFFFC00  }
0xa3: {  	_ =	swait.ge [sflag:s6], $0x400  }
0xa4: {  	[sflag:s6] =	ssyncset.done $0x0  }
0xa5: {  	[sflag:s6] =	ssyncadd.s32 $0xFFFFFC00  }
0xa6: {  	_ =	swait.ge [sflag:s6], $0x400  }
0xa7: {  	[sflag:s6] =	ssyncset.done $0x0  }
0xa8: {  	[sflag:s6] =	ssyncadd.s32 $0xFFFFFC00  }
0xa9: {  	_ =	swait.ge [sflag:s6], $0x400  }
0xaa: {  	[sflag:s6] =	ssyncset.done $0x0  }
0xab: {  	[sflag:s6] =	ssyncadd.s32 $0xFFFFFC00  }
0xac: {  	s10 =	sand.u32 $0x7F, s10;
	v4 =	vor.u32 $0x2000, v0;
	_ =	swait.ge [sflag:s6], $0x400  }
0xad: {  	v6 =	vor.u32 s10, v4;
	[sflag:s6] =	ssyncset.done $0x0  }
0xae: {  	[sflag:s6] =	ssyncadd.s32 $0xFFFFFC00  }
0xaf: {  	_ =	swait.ge [sflag:s6], $0x400  }
0xb0: {  	[sflag:s6] =	ssyncset.done $0x0  }
0xb1: {  	[sflag:s6] =	ssyncadd.s32 $0xFFFFFC00  }
0xb2: {  	v5 =	vor.u32 $0x2800, v0;
	v6 =	vld.idx.msk [tilespmem:v6+s5+$0x0], $0xffff  }
0xb3: {  	v7 =	vor.u32 s10, v5;
	_ =	sdelay $0x3  }
0xb4: {  	[tilespmem:$0x8180] =	vst v6  }
0xb5: {  	v6 =	vor.u32 $0x3000, v0;
	v7 =	vld.idx.msk [tilespmem:v7+s5+$0x0], $0xffff  }
0xb6: {  	v8 =	vor.u32 s10, v6;
	_ =	sdelay $0x3  }
0xb7: {  	[tilespmem:$0x8190] =	vst v7  }
0xb8: {  	v7 =	vor.u32 $0x3800, v0;
	v8 =	vld.idx.msk [tilespmem:v8+s5+$0x0], $0xffff  }
0xb9: {  	v9 =	vor.u32 s10, v7;
	_ =	sdelay $0x3  }
0xba: {  	[tilespmem:$0x81A0] =	vst v8  }
0xbb: {  	v8 =	vld.idx.msk [tilespmem:v9+s5+$0x0], $0xffff;
	_ =	sdelay $0x4  }
0xbc: {  	[tilespmem:$0x81B0] =	vst v8  }
0xbd: {  	_ =	swait.ge [sflag:s6], $0x400  }
0xbe: {  	[sflag:s6] =	ssyncset.done $0x0  }
0xbf: {  	[sflag:s6] =	ssyncadd.s32 $0xFFFFFC00  }
0xc0: {  	_ =	swait.ge [sflag:s6], $0x400  }
0xc1: {  	[sflag:s6] =	ssyncset.done $0x0  }
0xc2: {  	[sflag:s6] =	ssyncadd.s32 $0xFFFFFC00  }
0xc3: {  	_ =	swait.ge [sflag:s6], $0x400  }
0xc4: {  	[sflag:s6] =	ssyncset.done $0x0  }
0xc5: {  	[sflag:s6] =	ssyncadd.s32 $0xFFFFFC00  }
0xc6: {  	_ =	swait.ge [sflag:s6], $0x400  }
0xc7: {  	[sflag:s6] =	ssyncset.done $0x0  }
0xc8: {  	[sflag:s6] =	ssyncadd.s32 $0xFFFFFC00  }
0xc9: {  	_ =	swait.ge [sflag:s6], $0x400  }
0xca: {  	[sflag:s6] =	ssyncset.done $0x0  }
0xcb: {  	[sflag:s6] =	ssyncadd.s32 $0xFFFFFC00  }
0xcc: {  	_ =	swait.ge [sflag:s6], $0x400  }
0xcd: {  	[sflag:s6] =	ssyncset.done $0x0  }
0xce: {  	[sflag:s6] =	ssyncadd.s32 $0xFFFFFC00  }
0xcf: {  	s9 =	sand.u32 $0x7F, s9;
	v8 =	vor.u32 $0x4000, v0;
	_ =	swait.ge [sflag:s6], $0x400  }
0xd0: {  	v10 =	vor.u32 s9, v8;
	[sflag:s6] =	ssyncset.done $0x0  }
0xd1: {  	[sflag:s6] =	ssyncadd.s32 $0xFFFFFC00  }
0xd2: {  	_ =	swait.ge [sflag:s6], $0x400  }
0xd3: {  	[sflag:s6] =	ssyncset.done $0x0  }
0xd4: {  	[sflag:s6] =	ssyncadd.s32 $0xFFFFFC00  }
0xd5: {  	v9 =	vor.u32 $0x4800, v0;
	v10 =	vld.idx.msk [tilespmem:v10+s5+$0x0], $0xffff  }
0xd6: {  	v11 =	vor.u32 s9, v9;
	_ =	sdelay $0x3  }
0xd7: {  	[tilespmem:$0x8200] =	vst v10  }
0xd8: {  	v10 =	vor.u32 $0x5000, v0;
	v11 =	vld.idx.msk [tilespmem:v11+s5+$0x0], $0xffff  }
0xd9: {  	v12 =	vor.u32 s9, v10;
	_ =	sdelay $0x3  }
0xda: {  	[tilespmem:$0x8210] =	vst v11  }
0xdb: {  	v11 =	vor.u32 $0x5800, v0;
	v12 =	vld.idx.msk [tilespmem:v12+s5+$0x0], $0xffff  }
0xdc: {  	v13 =	vor.u32 s9, v11;
	_ =	sdelay $0x3  }
0xdd: {  	[tilespmem:$0x8220] =	vst v12  }
0xde: {  	v12 =	vld.idx.msk [tilespmem:v13+s5+$0x0], $0xffff;
	_ =	sdelay $0x4  }
0xdf: {  	[tilespmem:$0x8230] =	vst v12  }
0xe0: {  	_ =	swait.ge [sflag:s6], $0x400  }
0xe1: {  	[sflag:s6] =	ssyncset.done $0x0  }
0xe2: {  	[sflag:s6] =	ssyncadd.s32 $0xFFFFFC00  }
0xe3: {  	_ =	swait.ge [sflag:s6], $0x400  }
0xe4: {  	[sflag:s6] =	ssyncset.done $0x0  }
0xe5: {  	[sflag:s6] =	ssyncadd.s32 $0xFFFFFC00  }
0xe6: {  	_ =	swait.ge [sflag:s6], $0x400  }
0xe7: {  	[sflag:s6] =	ssyncset.done $0x0  }
0xe8: {  	[sflag:s6] =	ssyncadd.s32 $0xFFFFFC00  }
0xe9: {  	_ =	swait.ge [sflag:s6], $0x400  }
0xea: {  	[sflag:s6] =	ssyncset.done $0x0  }
0xeb: {  	[sflag:s6] =	ssyncadd.s32 $0xFFFFFC00  }
0xec: {  	_ =	swait.ge [sflag:s6], $0x400  }
0xed: {  	[sflag:s6] =	ssyncset.done $0x0  }
0xee: {  	[sflag:s6] =	ssyncadd.s32 $0xFFFFFC00  }
0xef: {  	_ =	swait.ge [sflag:s6], $0x400  }
0xf0: {  	[sflag:s6] =	ssyncset.done $0x0  }
0xf1: {  	[sflag:s6] =	ssyncadd.s32 $0xFFFFFC00  }
0xf2: {  	s8 =	sand.u32 $0x7F, s8;
	v12 =	vor.u32 $0x6000, v0;
	_ =	swait.ge [sflag:s6], $0x400  }
0xf3: {  	v14 =	vor.u32 s8, v12;
	[sflag:s6] =	ssyncset.done $0x0  }
0xf4: {  	[sflag:s6] =	ssyncadd.s32 $0xFFFFFC00  }
0xf5: {  	_ =	swait.ge [sflag:s6], $0x400  }
0xf6: {  	[sflag:s6] =	ssyncset.done $0x0  }
0xf7: {  	[sflag:s6] =	ssyncadd.s32 $0xFFFFFC00  }
0xf8: {  	v13 =	vor.u32 $0x6800, v0;
	v14 =	vld.idx.msk [tilespmem:v14+s5+$0x0], $0xffff  }
0xf9: {  	v15 =	vor.u32 s8, v13;
	_ =	sdelay $0x3  }
0xfa: {  	[tilespmem:$0x8280] =	vst v14  }
0xfb: {  	v14 =	vor.u32 $0x7000, v0;
	v15 =	vld.idx.msk [tilespmem:v15+s5+$0x0], $0xffff  }
0xfc: {  	v16 =	vor.u32 s8, v14;
	_ =	sdelay $0x3  }
0xfd: {  	[tilespmem:$0x8290] =	vst v15  }
0xfe: {  	v15 =	vor.u32 $0x7800, v0;
	v16 =	vld.idx.msk [tilespmem:v16+s5+$0x0], $0xffff  }
0xff: {  	v17 =	vor.u32 s8, v15  }
0x100: {  	s7 =	ssub.s32 $0x2, s7  }
0x101: {  	s31 =	sshrl.u32 s7, $0x1  }
0x102: {  	s7 =	ssub.s32 s7, s31  }
0x103: {  	s7 =	smax.u32 s7, $0x1;
	[tilespmem:$0x82A0] =	vst v16  }
0x104: {  	p1 =	sne.s32 s7, $0x1;
	v16 =	vld.idx.msk [tilespmem:v17+s5+$0x0], $0xffff  }
.Ltmp0:
0x105: {  	_ = 	snop;
	(pc) =	sbr.rel @!p1 .LBB2_2-.Ltmp0, $3  }
0x106: {  	_ =	sdelay $0x1  }
0x107: {  	s9 =	rddreg [dreg:$0x5]  }
0x108: {  	s7 =	sadd.s32 $0xFFFFFFFF, s7;
	s8 =	sld [smem:$0x7FD];
	[tilespmem:$0x82B0] =	vst v16  }
.LBB2_1:
0x109: {  	_ =	sdelay $0x1  }
0x10a: {  	[hbm4b:s9+s3] =	stream.linear.scatter [tilespmem:s8], [sflag:$0x2], $0x200, $0x38;
	[tilespmem:$0x8300] =	vst v63  }
0x10b: {  	_ =	swait.ge [sflag:s4], $0x200  }
0x10c: {  	[sflag:s4] =	ssyncset.done $0x0  }
0x10d: {  	s19 =	rddreg [dreg:$0x4];
	[sflag:s4] =	ssyncadd.s32 $0xFFFFFE00  }
0x10e: {  	[tilespmem:s3], [sflag:$0x2] =	stream.linear.gather [hbm4b:s19+s3], $0x80, $0x38;
	[tilespmem:$0x8300] =	vst v63  }
0x10f: {  	_ =	swait.ge [sflag:s4], $0x80  }
0x110: {  	[sflag:s4] =	ssyncset.done $0x0  }
0x111: {  	s20 =	rddreg [dreg:$0x6];
	[sflag:s4] =	ssyncadd.s32 $0xFFFFFF80  }
0x112: {  	v16 =	vld [tilespmem:s20+$0x0];
	_ =	sdelay $0x4  }
0x113: {  	(v2sf) =	vpush v16, $0x1  }
0x114: {  	(v2sf) =	vpush v16, $0x0  }
0x115: {  	(v2sf) =	vpush v16, $0x4;
	_ =	sdelay $0x1  }
0x116: {  	(v2sf) =	vpush v16, $0x5;
	_ =	sdelay $0x6  }
0x117: {  	(v2sf) =	vpush v16, $0x3;
	_ =	sdelay $0x1  }
0x118: {  	(v2sf) =	vpush v16, $0x6;
	_ =	sdelay $0x1  }
0x119: {  	(v2sf) =	vpush v16, $0x2;
	s8 =	spop (v2sf)  }
0x11a: {  	s9 =	spop (v2sf)  }
0x11b: {  	s12 =	rddreg [dreg:$0x8];
	s10 =	spop (v2sf)  }
0x11c: {  	s11 =	rddreg [dreg:$0x7];
	s10 =	smov.u32 @p0 s9  }
0x11d: {  	s15 =	rddreg [dreg:$0x9];
	s9 =	spop (v2sf);
	s21 =	sand.u32 $0xFFFFF80, s10  }
0x11e: {  	s18 =	rddreg [dreg:$0xa];
	s9 =	smov.u32 @p0 s8;
	s8 =	sadd.s32 s2, s21  }
0x11f: {  	(v2sf) =	vpush v16, $0x7;
	[tilespmem:s5], [sflag:$0x1] =	stream.linear.gather [hbm4b:s8+s3], $0x400, $0x38;
	[tilespmem:$0x8300] =	vst v63  }
0x120: {  	s24 =	rddreg [dreg:$0xb];
	s14 =	sadd.s32 $0xF4280, s8  }
0x121: {  	[tilespmem:s11], [sflag:$0x1] =	stream.linear.gather [hbm4b:s14+s3], $0x400, $0x38;
	[tilespmem:$0x8300] =	vst v63  }
0x122: {  	s26 =	rddreg [dreg:$0xc];
	s17 =	sadd.s32 $0x1E8500, s8  }
0x123: {  	[tilespmem:s12], [sflag:$0x1] =	stream.linear.gather [hbm4b:s17+s3], $0x400, $0x38;
	[tilespmem:$0x8300] =	vst v63  }
0x124: {  	s29 =	rddreg [dreg:$0xd];
	s16 =	spop (v2sf);
	s22 =	sadd.s32 $0x2DC780, s8  }
0x125: {  	[tilespmem:s15], [sflag:$0x1] =	stream.linear.gather [hbm4b:s22+s3], $0x400, $0x38;
	[tilespmem:$0x8300] =	vst v63  }
0x126: {  	s30 =	rddreg [dreg:$0xe];
	s19 =	spop (v2sf);
	s23 =	sadd.s32 $0x3D0A00, s8  }
0x127: {  	[tilespmem:s18], [sflag:$0x1] =	stream.linear.gather [hbm4b:s23+s3], $0x400, $0x38;
	[tilespmem:$0x8300] =	vst v63  }
0x128: {  	s25 =	sadd.s32 $0x4C4C80, s8;
	s11 =	sand.u32 $0x7F, s10;
	s10 =	spop (v2sf)  }
0x129: {  	[tilespmem:s24], [sflag:$0x1] =	stream.linear.gather [hbm4b:s25+s3], $0x400, $0x38;
	[tilespmem:$0x8300] =	vst v63  }
0x12a: {  	s31 =	rddreg [dreg:$0xf];
	s28 =	sadd.s32 $0x5B8F00, s8;
	s19 =	smov.u32 @p0 s10  }
0x12b: {  	[tilespmem:s26], [sflag:$0x1] =	stream.linear.gather [hbm4b:s28+s3], $0x400, $0x38;
	[tilespmem:$0x8300] =	vst v63  }
0x12c: {  	s13 =	sand.u32 $0xFFFFF80, s9;
	s8 =	sadd.s32 $0x6AD180, s8;
	s17 =	sand.u32 $0xFFFFF80, s19  }
0x12d: {  	[tilespmem:s29], [sflag:$0x1] =	stream.linear.gather [hbm4b:s8+s3], $0x400, $0x38;
	[tilespmem:$0x8300] =	vst v63  }
0x12e: {  	s13 =	sadd.s32 s2, s13;
	s14 =	sadd.s32 s2, s17;
	s20 =	spop (v2sf)  }
0x12f: {  	[tilespmem:s30], [sflag:$0x1] =	stream.linear.gather [hbm4b:s13+s3], $0x400, $0x38;
	[tilespmem:$0x8300] =	vst v63  }
0x130: {  	s17 =	rddreg [dreg:$0x1e];
	s20 =	smov.u32 @p0 s16;
	s16 =	sadd.s32 $0xF4280, s13  }
0x131: {  	[tilespmem:s31], [sflag:$0x1] =	stream.linear.gather [hbm4b:s16+s3], $0x400, $0x38;
	[tilespmem:$0x8300] =	vst v63  }
0x132: {  	s21 =	sadd.s32 $0x1E8500, s13;
	s18 =	rddreg [dreg:$0x10]  }
0x133: {  	[tilespmem:s18], [sflag:$0x1] =	stream.linear.gather [hbm4b:s21+s3], $0x400, $0x38;
	[tilespmem:$0x8300] =	vst v63  }
0x134: {  	s22 =	rddreg [dreg:$0x11];
	s23 =	sadd.s32 $0x2DC780, s13  }
0x135: {  	[tilespmem:s22], [sflag:$0x1] =	stream.linear.gather [hbm4b:s23+s3], $0x400, $0x38;
	[tilespmem:$0x8300] =	vst v63  }
0x136: {  	s24 =	rddreg [dreg:$0x12];
	s25 =	sadd.s32 $0x3D0A00, s13  }
0x137: {  	[tilespmem:s24], [sflag:$0x1] =	stream.linear.gather [hbm4b:s25+s3], $0x400, $0x38;
	[tilespmem:$0x8300] =	vst v63  }
0x138: {  	s26 =	rddreg [dreg:$0x13];
	s28 =	sadd.s32 $0x4C4C80, s13  }
0x139: {  	[tilespmem:s26], [sflag:$0x1] =	stream.linear.gather [hbm4b:s28+s3], $0x400, $0x38;
	[tilespmem:$0x8300] =	vst v63  }
0x13a: {  	s29 =	rddreg [dreg:$0x14];
	s30 =	sadd.s32 $0x5B8F00, s13  }
0x13b: {  	[tilespmem:s29], [sflag:$0x1] =	stream.linear.gather [hbm4b:s30+s3], $0x400, $0x38;
	[tilespmem:$0x8300] =	vst v63  }
0x13c: {  	s13 =	sadd.s32 $0x6AD180, s13;
	s31 =	rddreg [dreg:$0x15]  }
0x13d: {  	[tilespmem:s31], [sflag:$0x1] =	stream.linear.gather [hbm4b:s13+s3], $0x400, $0x38;
	[tilespmem:$0x8300] =	vst v63  }
0x13e: {  	s10 =	sand.u32 $0x7F, s9;
	s9 =	sand.u32 $0x7F, s19;
	s16 =	rddreg [dreg:$0x16]  }
0x13f: {  	[tilespmem:s16], [sflag:$0x1] =	stream.linear.gather [hbm4b:s14+s3], $0x400, $0x38;
	[tilespmem:$0x8300] =	vst v63  }
0x140: {  	s19 =	sadd.s32 $0xF4280, s14;
	s12 =	sand.u32 $0xFFFFF80, s20;
	s18 =	rddreg [dreg:$0x17]  }
0x141: {  	[tilespmem:s18], [sflag:$0x1] =	stream.linear.gather [hbm4b:s19+s3], $0x400, $0x38;
	[tilespmem:$0x8300] =	vst v63  }
0x142: {  	s8 =	sand.u32 $0x7F, s20;
	s20 =	rddreg [dreg:$0x18];
	s21 =	sadd.s32 $0x1E8500, s14  }
0x143: {  	[tilespmem:s20], [sflag:$0x1] =	stream.linear.gather [hbm4b:s21+s3], $0x400, $0x38;
	[tilespmem:$0x8300] =	vst v63  }
0x144: {  	s22 =	rddreg [dreg:$0x19];
	s23 =	sadd.s32 $0x2DC780, s14  }
0x145: {  	[tilespmem:s22], [sflag:$0x1] =	stream.linear.gather [hbm4b:s23+s3], $0x400, $0x38;
	[tilespmem:$0x8300] =	vst v63  }
0x146: {  	s24 =	rddreg [dreg:$0x1a];
	s25 =	sadd.s32 $0x3D0A00, s14  }
0x147: {  	[tilespmem:s24], [sflag:$0x1] =	stream.linear.gather [hbm4b:s25+s3], $0x400, $0x38;
	[tilespmem:$0x8300] =	vst v63  }
0x148: {  	s26 =	rddreg [dreg:$0x1b];
	s28 =	sadd.s32 $0x4C4C80, s14  }
0x149: {  	[tilespmem:s26], [sflag:$0x1] =	stream.linear.gather [hbm4b:s28+s3], $0x400, $0x38;
	[tilespmem:$0x8300] =	vst v63  }
0x14a: {  	s29 =	rddreg [dreg:$0x1c];
	s30 =	sadd.s32 $0x5B8F00, s14  }
0x14b: {  	[tilespmem:s29], [sflag:$0x1] =	stream.linear.gather [hbm4b:s30+s3], $0x400, $0x38;
	[tilespmem:$0x8300] =	vst v63  }
0x14c: {  	s31 =	rddreg [dreg:$0x1d];
	s14 =	sadd.s32 $0x6AD180, s14  }
0x14d: {  	[tilespmem:s31], [sflag:$0x1] =	stream.linear.gather [hbm4b:s14+s3], $0x400, $0x38;
	[tilespmem:$0x8300] =	vst v63  }
0x14e: {  	s12 =	sadd.s32 s2, s12;
	s18 =	rddreg [dreg:$0x1f]  }
0x14f: {  	[tilespmem:s17], [sflag:$0x1] =	stream.linear.gather [hbm4b:s12+s3], $0x400, $0x38;
	[tilespmem:$0x8300] =	vst v63  }
0x150: {  	s19 =	sadd.s32 $0xF4280, s12;
	s20 =	sld [smem:$0x7F7]  }
0x151: {  	[tilespmem:s18], [sflag:$0x1] =	stream.linear.gather [hbm4b:s19+s3], $0x400, $0x38;
	[tilespmem:$0x8300] =	vst v63  }
0x152: {  	s21 =	sadd.s32 $0x1E8500, s12;
	s22 =	sld [smem:$0x7F8]  }
0x153: {  	[tilespmem:s20], [sflag:$0x1] =	stream.linear.gather [hbm4b:s21+s3], $0x400, $0x38;
	[tilespmem:$0x8300] =	vst v63  }
0x154: {  	s23 =	sadd.s32 $0x2DC780, s12;
	s24 =	sld [smem:$0x7F9]  }
0x155: {  	[tilespmem:s22], [sflag:$0x1] =	stream.linear.gather [hbm4b:s23+s3], $0x400, $0x38;
	[tilespmem:$0x8300] =	vst v63  }
0x156: {  	s25 =	sadd.s32 $0x3D0A00, s12;
	s26 =	sld [smem:$0x7FA]  }
0x157: {  	[tilespmem:s24], [sflag:$0x1] =	stream.linear.gather [hbm4b:s25+s3], $0x400, $0x38;
	[tilespmem:$0x8300] =	vst v63  }
0x158: {  	s28 =	sadd.s32 $0x4C4C80, s12;
	s29 =	sld [smem:$0x7FB]  }
0x159: {  	[tilespmem:s26], [sflag:$0x1] =	stream.linear.gather [hbm4b:s28+s3], $0x400, $0x38;
	[tilespmem:$0x8300] =	vst v63  }
0x15a: {  	s30 =	sadd.s32 $0x5B8F00, s12;
	s31 =	sld [smem:$0x7FC]  }
0x15b: {  	[tilespmem:s29], [sflag:$0x1] =	stream.linear.gather [hbm4b:s30+s3], $0x400, $0x38;
	[tilespmem:$0x8300] =	vst v63  }
0x15c: {  	s12 =	sadd.s32 $0x6AD180, s12  }
0x15d: {  	[tilespmem:s31], [sflag:$0x1] =	stream.linear.gather [hbm4b:s12+s3], $0x400, $0x38;
	[tilespmem:$0x8300] =	vst v63  }
0x15e: {  	_ =	swait.ge [sflag:s6], $0x400  }
0x15f: {  	[sflag:s6] =	ssyncset.done $0x0  }
0x160: {  	[sflag:s6] =	ssyncadd.s32 $0xFFFFFC00  }
0x161: {  	_ =	swait.ge [sflag:s6], $0x400  }
0x162: {  	[sflag:s6] =	ssyncset.done $0x0  }
0x163: {  	[sflag:s6] =	ssyncadd.s32 $0xFFFFFC00  }
0x164: {  	_ =	swait.ge [sflag:s6], $0x400  }
0x165: {  	[sflag:s6] =	ssyncset.done $0x0  }
0x166: {  	[sflag:s6] =	ssyncadd.s32 $0xFFFFFC00  }
0x167: {  	_ =	swait.ge [sflag:s6], $0x400  }
0x168: {  	[sflag:s6] =	ssyncset.done $0x0  }
0x169: {  	[sflag:s6] =	ssyncadd.s32 $0xFFFFFC00  }
0x16a: {  	_ =	swait.ge [sflag:s6], $0x400  }
0x16b: {  	[sflag:s6] =	ssyncset.done $0x0  }
0x16c: {  	[sflag:s6] =	ssyncadd.s32 $0xFFFFFC00  }
0x16d: {  	_ =	swait.ge [sflag:s6], $0x400  }
0x16e: {  	[sflag:s6] =	ssyncset.done $0x0  }
0x16f: {  	[sflag:s6] =	ssyncadd.s32 $0xFFFFFC00  }
0x170: {  	_ =	swait.ge [sflag:s6], $0x400  }
0x171: {  	v16 =	vor.u32 s11, v0;
	[sflag:s6] =	ssyncset.done $0x0  }
0x172: {  	[sflag:s6] =	ssyncadd.s32 $0xFFFFFC00  }
0x173: {  	_ =	swait.ge [sflag:s6], $0x400  }
0x174: {  	[sflag:s6] =	ssyncset.done $0x0  }
0x175: {  	[sflag:s6] =	ssyncadd.s32 $0xFFFFFC00  }
0x176: {  	v16 =	vld.idx.msk [tilespmem:v16+s5+$0x0], $0xffff  }
0x177: {  	v17 =	vor.u32 s11, v1;
	_ =	sdelay $0x3  }
0x178: {  	[tilespmem:$0x8100] =	vst v16  }
0x179: {  	v16 =	vld.idx.msk [tilespmem:v17+s5+$0x0], $0xffff  }
0x17a: {  	v17 =	vor.u32 s11, v2;
	_ =	sdelay $0x3  }
0x17b: {  	[tilespmem:$0x8110] =	vst v16  }
0x17c: {  	v16 =	vld.idx.msk [tilespmem:v17+s5+$0x0], $0xffff  }
0x17d: {  	v17 =	vor.u32 s11, v3;
	_ =	sdelay $0x3  }
0x17e: {  	[tilespmem:$0x8120] =	vst v16  }
0x17f: {  	v16 =	vld.idx.msk [tilespmem:v17+s5+$0x0], $0xffff;
	_ =	sdelay $0x4  }
0x180: {  	[tilespmem:$0x8130] =	vst v16  }
0x181: {  	_ =	swait.ge [sflag:s6], $0x400  }
0x182: {  	[sflag:s6] =	ssyncset.done $0x0  }
0x183: {  	[sflag:s6] =	ssyncadd.s32 $0xFFFFFC00  }
0x184: {  	_ =	swait.ge [sflag:s6], $0x400  }
0x185: {  	[sflag:s6] =	ssyncset.done $0x0  }
0x186: {  	[sflag:s6] =	ssyncadd.s32 $0xFFFFFC00  }
0x187: {  	_ =	swait.ge [sflag:s6], $0x400  }
0x188: {  	[sflag:s6] =	ssyncset.done $0x0  }
0x189: {  	[sflag:s6] =	ssyncadd.s32 $0xFFFFFC00  }
0x18a: {  	_ =	swait.ge [sflag:s6], $0x400  }
0x18b: {  	[sflag:s6] =	ssyncset.done $0x0  }
0x18c: {  	[sflag:s6] =	ssyncadd.s32 $0xFFFFFC00  }
0x18d: {  	_ =	swait.ge [sflag:s6], $0x400  }
0x18e: {  	[sflag:s6] =	ssyncset.done $0x0  }
0x18f: {  	[sflag:s6] =	ssyncadd.s32 $0xFFFFFC00  }
0x190: {  	_ =	swait.ge [sflag:s6], $0x400  }
0x191: {  	[sflag:s6] =	ssyncset.done $0x0  }
0x192: {  	[sflag:s6] =	ssyncadd.s32 $0xFFFFFC00  }
0x193: {  	_ =	swait.ge [sflag:s6], $0x400  }
0x194: {  	v16 =	vor.u32 s10, v4;
	[sflag:s6] =	ssyncset.done $0x0  }
0x195: {  	[sflag:s6] =	ssyncadd.s32 $0xFFFFFC00  }
0x196: {  	_ =	swait.ge [sflag:s6], $0x400  }
0x197: {  	[sflag:s6] =	ssyncset.done $0x0  }
0x198: {  	[sflag:s6] =	ssyncadd.s32 $0xFFFFFC00  }
0x199: {  	v16 =	vld.idx.msk [tilespmem:v16+s5+$0x0], $0xffff  }
0x19a: {  	v17 =	vor.u32 s10, v5;
	_ =	sdelay $0x3  }
0x19b: {  	[tilespmem:$0x8180] =	vst v16  }
0x19c: {  	v16 =	vld.idx.msk [tilespmem:v17+s5+$0x0], $0xffff  }
0x19d: {  	v17 =	vor.u32 s10, v6;
	_ =	sdelay $0x3  }
0x19e: {  	[tilespmem:$0x8190] =	vst v16  }
0x19f: {  	v16 =	vld.idx.msk [tilespmem:v17+s5+$0x0], $0xffff  }
0x1a0: {  	v17 =	vor.u32 s10, v7;
	_ =	sdelay $0x3  }
0x1a1: {  	[tilespmem:$0x81A0] =	vst v16  }
0x1a2: {  	v16 =	vld.idx.msk [tilespmem:v17+s5+$0x0], $0xffff;
	_ =	sdelay $0x4  }
0x1a3: {  	[tilespmem:$0x81B0] =	vst v16  }
0x1a4: {  	_ =	swait.ge [sflag:s6], $0x400  }
0x1a5: {  	[sflag:s6] =	ssyncset.done $0x0  }
0x1a6: {  	[sflag:s6] =	ssyncadd.s32 $0xFFFFFC00  }
0x1a7: {  	_ =	swait.ge [sflag:s6], $0x400  }
0x1a8: {  	[sflag:s6] =	ssyncset.done $0x0  }
0x1a9: {  	[sflag:s6] =	ssyncadd.s32 $0xFFFFFC00  }
0x1aa: {  	_ =	swait.ge [sflag:s6], $0x400  }
0x1ab: {  	[sflag:s6] =	ssyncset.done $0x0  }
0x1ac: {  	[sflag:s6] =	ssyncadd.s32 $0xFFFFFC00  }
0x1ad: {  	_ =	swait.ge [sflag:s6], $0x400  }
0x1ae: {  	[sflag:s6] =	ssyncset.done $0x0  }
0x1af: {  	[sflag:s6] =	ssyncadd.s32 $0xFFFFFC00  }
0x1b0: {  	_ =	swait.ge [sflag:s6], $0x400  }
0x1b1: {  	[sflag:s6] =	ssyncset.done $0x0  }
0x1b2: {  	[sflag:s6] =	ssyncadd.s32 $0xFFFFFC00  }
0x1b3: {  	_ =	swait.ge [sflag:s6], $0x400  }
0x1b4: {  	[sflag:s6] =	ssyncset.done $0x0  }
0x1b5: {  	[sflag:s6] =	ssyncadd.s32 $0xFFFFFC00  }
0x1b6: {  	_ =	swait.ge [sflag:s6], $0x400  }
0x1b7: {  	v16 =	vor.u32 s9, v8;
	[sflag:s6] =	ssyncset.done $0x0  }
0x1b8: {  	[sflag:s6] =	ssyncadd.s32 $0xFFFFFC00  }
0x1b9: {  	_ =	swait.ge [sflag:s6], $0x400  }
0x1ba: {  	[sflag:s6] =	ssyncset.done $0x0  }
0x1bb: {  	[sflag:s6] =	ssyncadd.s32 $0xFFFFFC00  }
0x1bc: {  	v16 =	vld.idx.msk [tilespmem:v16+s5+$0x0], $0xffff  }
0x1bd: {  	v17 =	vor.u32 s9, v9;
	_ =	sdelay $0x3  }
0x1be: {  	[tilespmem:$0x8200] =	vst v16  }
0x1bf: {  	v16 =	vld.idx.msk [tilespmem:v17+s5+$0x0], $0xffff  }
0x1c0: {  	v17 =	vor.u32 s9, v10;
	_ =	sdelay $0x3  }
0x1c1: {  	[tilespmem:$0x8210] =	vst v16  }
0x1c2: {  	v16 =	vld.idx.msk [tilespmem:v17+s5+$0x0], $0xffff  }
0x1c3: {  	v17 =	vor.u32 s9, v11;
	_ =	sdelay $0x3  }
0x1c4: {  	[tilespmem:$0x8220] =	vst v16  }
0x1c5: {  	v16 =	vld.idx.msk [tilespmem:v17+s5+$0x0], $0xffff;
	_ =	sdelay $0x4  }
0x1c6: {  	[tilespmem:$0x8230] =	vst v16  }
0x1c7: {  	_ =	swait.ge [sflag:s6], $0x400  }
0x1c8: {  	[sflag:s6] =	ssyncset.done $0x0  }
0x1c9: {  	[sflag:s6] =	ssyncadd.s32 $0xFFFFFC00  }
0x1ca: {  	_ =	swait.ge [sflag:s6], $0x400  }
0x1cb: {  	[sflag:s6] =	ssyncset.done $0x0  }
0x1cc: {  	[sflag:s6] =	ssyncadd.s32 $0xFFFFFC00  }
0x1cd: {  	_ =	swait.ge [sflag:s6], $0x400  }
0x1ce: {  	[sflag:s6] =	ssyncset.done $0x0  }
0x1cf: {  	[sflag:s6] =	ssyncadd.s32 $0xFFFFFC00  }
0x1d0: {  	_ =	swait.ge [sflag:s6], $0x400  }
0x1d1: {  	[sflag:s6] =	ssyncset.done $0x0  }
0x1d2: {  	[sflag:s6] =	ssyncadd.s32 $0xFFFFFC00  }
0x1d3: {  	_ =	swait.ge [sflag:s6], $0x400  }
0x1d4: {  	[sflag:s6] =	ssyncset.done $0x0  }
0x1d5: {  	[sflag:s6] =	ssyncadd.s32 $0xFFFFFC00  }
0x1d6: {  	_ =	swait.ge [sflag:s6], $0x400  }
0x1d7: {  	[sflag:s6] =	ssyncset.done $0x0  }
0x1d8: {  	[sflag:s6] =	ssyncadd.s32 $0xFFFFFC00  }
0x1d9: {  	_ =	swait.ge [sflag:s6], $0x400  }
0x1da: {  	v16 =	vor.u32 s8, v12;
	[sflag:s6] =	ssyncset.done $0x0  }
0x1db: {  	[sflag:s6] =	ssyncadd.s32 $0xFFFFFC00  }
0x1dc: {  	_ =	swait.ge [sflag:s6], $0x400  }
0x1dd: {  	[sflag:s6] =	ssyncset.done $0x0  }
0x1de: {  	[sflag:s6] =	ssyncadd.s32 $0xFFFFFC00  }
0x1df: {  	v16 =	vld.idx.msk [tilespmem:v16+s5+$0x0], $0xffff  }
0x1e0: {  	v17 =	vor.u32 s8, v13;
	_ =	sdelay $0x3  }
0x1e1: {  	[tilespmem:$0x8280] =	vst v16  }
0x1e2: {  	v16 =	vld.idx.msk [tilespmem:v17+s5+$0x0], $0xffff  }
0x1e3: {  	v17 =	vor.u32 s8, v14;
	_ =	sdelay $0x3  }
0x1e4: {  	[tilespmem:$0x8290] =	vst v16  }
0x1e5: {  	v16 =	vld.idx.msk [tilespmem:v17+s5+$0x0], $0xffff  }
0x1e6: {  	v17 =	vor.u32 s8, v15;
	_ =	sdelay $0x3  }
0x1e7: {  	[tilespmem:$0x82A0] =	vst v16  }
0x1e8: {  	p1 =	sne.s32 s7, $0x1;
	v16 =	vld.idx.msk [tilespmem:v17+s5+$0x0], $0xffff  }
.Ltmp1:
0x1e9: {  	_ = 	snop;
	(pc) =	sbr.rel @p1 .LBB2_1-.Ltmp1, $3  }
0x1ea: {  	_ =	sdelay $0x1  }
0x1eb: {  	s9 =	rddreg [dreg:$0x5]  }
0x1ec: {  	s7 =	sadd.s32 $0xFFFFFFFF, s7;
	s8 =	sld [smem:$0x7FD];
	[tilespmem:$0x82B0] =	vst v16  }
.LBB2_2:
0x1ed: {  	_ =	sdelay $0x1  }
0x1ee: {  	[hbm4b:s9+s3] =	stream.linear.scatter [tilespmem:s8], [sflag:$0x2], $0x200, $0x38;
	[tilespmem:$0x8300] =	vst v63  }
0x1ef: {  	_ =	swait.ge [sflag:s4], $0x200  }
0x1f0: {  	[sflag:s4] =	ssyncset.done $0x0  }
0x1f1: {  	[sflag:s4] =	ssyncadd.s32 $0xFFFFFE00  }
0x1f2: {  	_ =	sfence.sel $0x180000  }
0x1f3: {  	[bflag:$0x0] =	sbarrier.arrive $0xFFFF  }
0x1f4: {  	p0 =	sne.s32 s1, $0x0;
	_ =	strace $0x90000047  }
0x1f5: {  	s0 =	sadd.s32 @!p0 $0x100000, s0;
	[bflag:$0x2] =	sbarrier.arrive $0xFFFF  }
0x1f6: {  	[sflag:s0] =	ssyncadd.tile.s32 @!p0 $0x1;
	_ =	shalt  }
.Lfunc_end2:
_tile_overlayer_lowered:
.L_overlay_start_2:
0x1f7: {  	(tag) =	ssettag $0x2  }
0x1f8: {  	s0 =	rddreg [dreg:$0x0];
	s2 =	stileid.u32  }
0x1f9: {  	s1 =	rddreg [dreg:$0x1];
	p0 =	sne.s32 s2, $0x0  }
0x1fa: {  	s3 =	rddreg [dreg:$0x2];
	[bflag:$0x3] =	sbarrier.arrive $0xFFFF;
	s2 =	simm.s32 @!p0 $0x1C02  }
0x1fb: {  	[timem:s3], [sflag:s2] =	dma.local @!p0 [hbm:s0], s1  }
0x1fc: {  	s0 =	simm.s32 @!p0 $0x2  }
0x1fd: {  	_ =	swait.ge @!p0 [sflag:s0], s1  }
0x1fe: {  	s1 =	ssub.s32 @!p0 $0x0, s1;
	[sflag:s0] =	ssyncset.done @!p0 $0x0  }
0x1ff: {  	[sflag:s0] =	ssyncadd.s32 @!p0 s1  }
0x200: {  	[bflag:$0x3] =	sbarrier.arrive $0xFFFF  }
0x201: {  	_ =	shalt  }

</sc_bundles>
